<compile_context>
chip_gen: v7x
topology: tpu7x:2x2x1
jax: 0.10.2.dev20260603
libtpu: 0.0.44.dev20260713+nightly
codegen_flags: <defaults>
</compile_context>

<pallas_src>
import functools

import jax
import jax.numpy as jnp
from jax import lax
from jax.experimental import pallas as pl
from jax.experimental.pallas import tpu as pltpu
from jax.experimental.pallas import tpu_sc as plsc

N_FIELDS = 60082
N_COMPANY = 14695
DIM = 64
HID = 32
B = 8
L = 50
LP = 64
BK = 6144
NBLK = (N_FIELDS + BK - 1) // BK
NP = NBLK * BK
CHUNK = NP // 4


def _small_body(ceT_ref, ctT_ref, Wp_ref, b_proj_ref, fw_ref, fwT_ref,
                fb_ref, cw_ref, cb_ref, w2_ref, b2_ref,
                vrow_ref, c0_ref, urow_ref, c2_ref, q_ref, pr_ref):
    w_row = fw_ref[...]
    w_col = fwT_ref[...]
    vrow_ref[...] = jnp.dot(w_row, Wp_ref[...])
    c0_ref[...] = jnp.dot(b_proj_ref[...], w_col)
    urow_ref[...] = jnp.dot(w_row, w2_ref[...])
    c2_ref[...] = jnp.dot(b2_ref[...], w_col)

    cw_row = cw_ref[...]
    q_ref[...] = jnp.dot(cw_row, ctT_ref[...])
    p_row = jnp.dot(cw_row, ceT_ref[...])
    r = cb_ref[0] + fb_ref[0]
    pr_ref[...] = jnp.concatenate(
        [p_row, jnp.full((1, 8), r, jnp.float32)], axis=1)


def _small_call(company_emb, company_table, W_proj, b_proj, fc_field_w,
                fc_field_b, fc_company_w, fc_company_b, w2, b2):
    return pl.pallas_call(
        _small_body,
        grid=(1,),
        in_specs=[
            pl.BlockSpec((DIM, B), lambda i: (0, 0)),
            pl.BlockSpec((DIM, N_COMPANY), lambda i: (0, 0)),
            pl.BlockSpec((DIM, DIM), lambda i: (0, 0)),
            pl.BlockSpec((1, DIM), lambda i: (0, 0)),
            pl.BlockSpec((1, DIM), lambda i: (0, 0)),
            pl.BlockSpec((DIM, 1), lambda i: (0, 0)),
            pl.BlockSpec((1,), lambda i: (0,)),
            pl.BlockSpec((1, DIM), lambda i: (0, 0)),
            pl.BlockSpec((1,), lambda i: (0,)),
            pl.BlockSpec((DIM, HID), lambda i: (0, 0)),
            pl.BlockSpec((1, DIM), lambda i: (0, 0)),
        ],
        out_specs=[
            pl.BlockSpec((1, DIM), lambda i: (0, 0)),
            pl.BlockSpec((1, 1), lambda i: (0, 0)),
            pl.BlockSpec((1, HID), lambda i: (0, 0)),
            pl.BlockSpec((1, 1), lambda i: (0, 0)),
            pl.BlockSpec((1, N_COMPANY), lambda i: (0, 0)),
            pl.BlockSpec((1, 16), lambda i: (0, 0)),
        ],
        out_shape=[
            jax.ShapeDtypeStruct((1, DIM), jnp.float32),
            jax.ShapeDtypeStruct((1, 1), jnp.float32),
            jax.ShapeDtypeStruct((1, HID), jnp.float32),
            jax.ShapeDtypeStruct((1, 1), jnp.float32),
            jax.ShapeDtypeStruct((1, N_COMPANY), jnp.float32),
            jax.ShapeDtypeStruct((1, 16), jnp.float32),
        ],
    )(company_emb.T, company_table.T, W_proj, b_proj.reshape(1, DIM),
      fc_field_w, fc_field_w.T, fc_field_b, fc_company_w, fc_company_b,
      w2, b2.reshape(1, DIM))


def _stream_body(ftT_ref, feT_ref, rfeT_ref, aT_ref, vrow_ref, c0_ref,
                 fw_ref, w1_ref, b1_ref, urow_ref, c2_ref,
                 s_ref, gp_ref, mp_ref):
    s_row = jnp.dot(vrow_ref[...], ftT_ref[...]) + c0_ref[0, 0]
    g_row = jnp.dot(fw_ref[...], feT_ref[...])
    h = jnp.dot(w1_ref[...], rfeT_ref[...]) + b1_ref[...]
    h = jnp.where(h >= 0, h, 0.01 * h)
    m_row = jnp.dot(urow_ref[...], h) + c2_ref[0, 0]
    a_row = aT_ref[...]
    s_ref[0, 0, :] = s_row[0, :]
    gp_ref[0, 0, :] = (a_row * (g_row - s_row))[0, :]
    mp_ref[0, 0, :] = (a_row * m_row)[0, :]


def _stream_call(ftT, feT, rfeT, alphaT, vrow, c0, fc_field_w, w1, b1col,
                 urow, c2):
    return pl.pallas_call(
        _stream_body,
        grid=(NBLK,),
        in_specs=[
            pl.BlockSpec((DIM, BK), lambda i: (0, i)),
            pl.BlockSpec((DIM, BK), lambda i: (0, i)),
            pl.BlockSpec((DIM, BK), lambda i: (0, i)),
            pl.BlockSpec((1, BK), lambda i: (0, i)),
            pl.BlockSpec((1, DIM), lambda i: (0, 0)),
            pl.BlockSpec((1, 1), lambda i: (0, 0)),
            pl.BlockSpec((1, DIM), lambda i: (0, 0)),
            pl.BlockSpec((HID, DIM), lambda i: (0, 0)),
            pl.BlockSpec((HID, 1), lambda i: (0, 0)),
            pl.BlockSpec((1, HID), lambda i: (0, 0)),
            pl.BlockSpec((1, 1), lambda i: (0, 0)),
        ],
        out_specs=[
            pl.BlockSpec((1, 1, BK), lambda i: (0, 0, i)),
            pl.BlockSpec((1, 1, BK), lambda i: (0, 0, i)),
            pl.BlockSpec((1, 1, BK), lambda i: (0, 0, i)),
        ],
        out_shape=[
            jax.ShapeDtypeStruct((1, 1, NP), jnp.float32),
            jax.ShapeDtypeStruct((1, 1, NP), jnp.float32),
            jax.ShapeDtypeStruct((1, 1, NP), jnp.float32),
        ],
    )(ftT, feT, rfeT, alphaT, vrow, c0, fc_field_w, w1, b1col, urow, c2)


def _full16(val):
    return jnp.full((16,), val, jnp.int32)


def _corr_body(s_hbm, gp_hbm, mp_hbm, nodes_hbm, q_hbm, th_hbm, pr_hbm,
               cid_hbm, out_hbm, idx_v, cur_v, gm_v, val_v, buf_v, sem):
    c = lax.axis_index("c")
    sid = lax.axis_index("s")
    b = c * 4 + sid // 4
    q = sid % 4

    e1 = pltpu.async_copy(cid_hbm.at[_full16(b)], idx_v, sem)
    e1.wait()
    com_b = idx_v[...]
    e2 = pltpu.async_copy(th_hbm.at[com_b], cur_v, sem)
    e3 = pltpu.async_copy(q_hbm.at[com_b], gm_v, sem)
    e4 = pltpu.async_copy(pr_hbm.at[_full16(b)], val_v, sem)
    e2.wait(); e3.wait(); e4.wait()
    th = cur_v[...]
    c_user = (1.0 - th) * val_v[...] + th * gm_v[...]
    e5 = pltpu.async_copy(pr_hbm.at[_full16(8)], val_v, sem)
    e5.wait()
    c_user = c_user + val_v[...]

    pltpu.sync_copy(s_hbm.at[pl.ds(q * CHUNK, CHUNK)], buf_v)

    def add_c(j, _):
        for u in range(8):
            off = j * 128 + u * 16
            buf_v[pl.ds(off, 16)] = buf_v[pl.ds(off, 16)] + c_user
        return 0
    lax.fori_loop(0, CHUNK // 128, add_c, 0)
    pltpu.sync_copy(buf_v, out_hbm.at[pl.ds(b * NP + q * CHUNK, CHUNK)])
    plsc.subcore_barrier()

    pltpu.sync_copy(nodes_hbm.at[b, 1, pl.ds(q * 16, 16)], idx_v)
    idx = idx_v[...]
    fidx = idx + b * NP
    c1 = pltpu.async_copy(out_hbm.at[fidx], cur_v, sem)
    c2 = pltpu.async_copy(gp_hbm.at[idx], gm_v, sem)
    c1.wait(); c2.wait()
    plsc.subcore_barrier()
    val_v[...] = cur_v[...] + gm_v[...]
    pltpu.async_copy(val_v, out_hbm.at[fidx], sem).wait()
    plsc.subcore_barrier()

    pltpu.sync_copy(nodes_hbm.at[b, 0, pl.ds(q * 16, 16)], idx_v)
    idx2 = idx_v[...]
    fidx2 = idx2 + b * NP
    d1 = pltpu.async_copy(out_hbm.at[fidx2], cur_v, sem)
    d2 = pltpu.async_copy(mp_hbm.at[idx2], gm_v, sem)
    d1.wait(); d2.wait()
    plsc.subcore_barrier()
    val_v[...] = cur_v[...] + gm_v[...]
    pltpu.async_copy(val_v, out_hbm.at[fidx2], sem).wait()


def _corr_call(s_flat, gp_flat, mp_flat, nodes_pad, q_flat, theta_flat,
               pr_flat, cid_pad):
    mesh = plsc.VectorSubcoreMesh(core_axis_name="c", subcore_axis_name="s")
    f = functools.partial(
        pl.kernel,
        mesh=mesh,
        out_type=jax.ShapeDtypeStruct((B * NP,), jnp.float32),
        scratch_types=[
            pltpu.VMEM((16,), jnp.int32),
            pltpu.VMEM((16,), jnp.float32),
            pltpu.VMEM((16,), jnp.float32),
            pltpu.VMEM((16,), jnp.float32),
            pltpu.VMEM((CHUNK,), jnp.float32),
            pltpu.SemaphoreType.DMA,
        ],
        compiler_params=pltpu.CompilerParams(needs_layout_passes=False,
                                             use_tc_tiling_on_sc=False),
    )(_corr_body)
    return f(s_flat, gp_flat, mp_flat, nodes_pad, q_flat, theta_flat,
             pr_flat, cid_pad)


def kernel(company_emb, field_emb, nodes, com_id, hier_embed, raw_field_embed,
           raw_hier_embed, company_table, field_table, W_proj, b_proj, theta,
           alpha_fields, fc_field_w, fc_field_b, fc_company_w, fc_company_b,
           w1, b1, w2, b2):
    vrow, c0, urow, c2, qv, pr = _small_call(
        company_emb, company_table, W_proj, b_proj, fc_field_w, fc_field_b,
        fc_company_w, fc_company_b, w2, b2)
    s, gp, mp = _stream_call(
        field_table.T, field_emb.T, raw_field_embed.T, alpha_fields.T,
        vrow, c0, fc_field_w, w1, b1.reshape(HID, 1), urow, c2)
    nodes_pad = jnp.pad(nodes.astype(jnp.int32), ((0, 0), (0, 0), (0, LP - L)),
                        mode="edge")
    cid_pad = jnp.pad(com_id.astype(jnp.int32), (0, 16 - B))
    out = _corr_call(s.reshape(-1), gp.reshape(-1), mp.reshape(-1),
                     nodes_pad, qv.reshape(-1), theta.reshape(-1),
                     pr.reshape(-1), cid_pad)
    return out.reshape(B, NP)[:, :N_FIELDS]

# --- scband reference (transcript-rebuilt; emitter-appended) ---
"""Pipeline reference for scband-edgpat-23785528885485 (READ-ONLY COPY).

The authoritative reference and input builder live on the scoring server;
editing this copy changes nothing except your own understanding.
"""

import jax, jax.numpy as jnp
import numpy as np

N_FIELDS = 60082
N_COMPANY = 14695
DIM = 64
B = 8
L = 50


def setup_inputs(seed: int = 0) -> dict:
    key = jax.random.key(seed)
    ks = jax.random.split(key, 20)
    inp = {}
    inp["company_emb"] = jax.random.normal(ks[0], (B, DIM), dtype=jnp.float32)
    inp["field_emb"] = jax.random.normal(ks[1], (N_FIELDS, DIM), dtype=jnp.float32)
    inp["nodes"] = jax.random.randint(ks[2], (B, 2, L), 0, N_FIELDS)
    inp["com_id"] = jax.random.randint(ks[3], (B,), 0, N_COMPANY)
    inp["hier_embed"] = jnp.zeros((1, 1), dtype=jnp.float32)
    inp["raw_field_embed"] = jax.random.normal(ks[4], (N_FIELDS, DIM), dtype=jnp.float32)
    inp["raw_hier_embed"] = jnp.zeros((1, 1), dtype=jnp.float32)
    # learned parameters
    inp["company_table"] = jax.random.normal(ks[5], (N_COMPANY, DIM), dtype=jnp.float32) * 0.02
    inp["field_table"] = jax.random.normal(ks[6], (N_FIELDS, DIM), dtype=jnp.float32) * 0.02
    inp["W_proj"] = jax.random.normal(ks[7], (DIM, DIM), dtype=jnp.float32) * 0.05
    inp["b_proj"] = jnp.zeros((DIM,), dtype=jnp.float32)
    inp["theta"] = jax.random.uniform(ks[8], (N_COMPANY, 1), dtype=jnp.float32)
    inp["alpha_fields"] = jax.random.uniform(ks[9], (N_FIELDS, 1), dtype=jnp.float32)
    inp["fc_field_w"] = jax.random.normal(ks[10], (1, DIM), dtype=jnp.float32) * 0.05
    inp["fc_field_b"] = jnp.zeros((1,), dtype=jnp.float32)
    inp["fc_company_w"] = jax.random.normal(ks[11], (1, DIM), dtype=jnp.float32) * 0.05
    inp["fc_company_b"] = jnp.zeros((1,), dtype=jnp.float32)
    inp["w1"] = jax.random.normal(ks[12], (DIM // 2, DIM), dtype=jnp.float32) * 0.05
    inp["b1"] = jnp.zeros((DIM // 2,), dtype=jnp.float32)
    inp["w2"] = jax.random.normal(ks[13], (DIM, DIM // 2), dtype=jnp.float32) * 0.05
    inp["b2"] = jnp.zeros((DIM,), dtype=jnp.float32)
    return inp


def reference(company_emb, field_emb, nodes, com_id, hier_embed, raw_field_embed,
              raw_hier_embed, company_table, field_table, W_proj, b_proj, theta,
              alpha_fields, fc_field_w, fc_field_b, fc_company_w, fc_company_b,
              w1, b1, w2, b2):
    # company memory mixing: (1 - theta) * dynamic + theta * static embedding
    theta_c = theta[com_id]                                   # [B, 1] gather
    company_mem_stat = (1.0 - theta_c) * company_emb + theta_c * company_table[com_id]
    # dropout is identity in eval mode
    proj_all = field_table @ W_proj.T + b_proj                # [N_FIELDS, DIM]

    def per_user(user_node, cstat):
        his = user_node[0]                                    # [L]
        now = user_node[1]                                    # [L]
        beta = jnp.zeros((N_FIELDS, 1), dtype=jnp.float32)
        beta = beta.at[now].set(1.0)                          # scatter-overwrite
        beta = beta.at[his].set(1.0)
        embed = (1.0 - beta * alpha_fields) * proj_all        # [N_FIELDS, DIM]
        now_proj = field_emb[now]                             # gather [L, DIM]
        embed = embed.at[now].set(embed[now] + alpha_fields[now] * now_proj)
        h = raw_field_embed[his]                              # gather [L, DIM]
        h = jax.nn.leaky_relu(h @ w1.T + b1, negative_slope=0.01)
        his_mlp = h @ w2.T + b2
        embed = embed.at[his].set(embed[his] + alpha_fields[his] * his_mlp)
        fields_out = embed @ fc_field_w.T + fc_field_b        # [N_FIELDS, 1]
        company_out = cstat @ fc_company_w.T + fc_company_b   # [1]
        return fields_out[:, 0] + company_out[0]              # [N_FIELDS]

    out = jax.vmap(per_user)(nodes, company_mem_stat)         # [B, N_FIELDS]
    return out

if __name__ == "__main__":
    import jax
    _d = setup_inputs()
    print(jax.jit(kernel)(*tuple(_d.values())))

</pallas_src>

<mosaic_0001>
#map = affine_map<(d0, d1) -> (0)>
#map1 = affine_map<(d0, d1) -> (0, 0, 0)>
module attributes {stable_mosaic.version = 14 : i64} {
  func.func @_corr_body(%arg0: i32, %arg1: i32, %arg2: memref<61440xf32, #tpu.memory_space<hbm>>, %arg3: memref<61440xf32, #tpu.memory_space<hbm>>, %arg4: memref<61440xf32, #tpu.memory_space<hbm>>, %arg5: memref<8x2x64xi32, #tpu.memory_space<hbm>>, %arg6: memref<14695xf32, #tpu.memory_space<hbm>>, %arg7: memref<14695xf32, #tpu.memory_space<hbm>>, %arg8: memref<16xf32, #tpu.memory_space<hbm>>, %arg9: memref<16xi32, #tpu.memory_space<hbm>>, %arg10: memref<491520xf32, #tpu.memory_space<hbm>>, %arg11: memref<16xi32, #tpu.memory_space<vmem>>, %arg12: memref<16xf32, #tpu.memory_space<vmem>>, %arg13: memref<16xf32, #tpu.memory_space<vmem>>, %arg14: memref<16xf32, #tpu.memory_space<vmem>>, %arg15: memref<15360xf32, #tpu.memory_space<vmem>>, %arg16: memref<!tpu.dma_semaphore, #tpu.memory_space<semaphore_mem>>) attributes {dimension_semantics = [#tpu.dimension_semantics<core_parallel>, #tpu.dimension_semantics<subcore_parallel>], iteration_bounds = array<i64: 2, 16>, scalar_prefetch = 0 : i64, scratch_operands = 6 : i64, tpu.core_type = #tpu.core_type<sc_vector_subcore>, window_params = [{transform_indices = #map}, {transform_indices = #map}, {transform_indices = #map}, {transform_indices = #map1}, {transform_indices = #map}, {transform_indices = #map}, {transform_indices = #map}, {transform_indices = #map}, {transform_indices = #map}]} {
    %mul3A = arith.constant 4 : i32
    %mul3A_0 = arith.muli %arg0, %mul3A : i32
    %jit3A = arith.constant 4 : i32
    %div3A = arith.divsi %arg1, %jit3A : i32
    %sign3A = arith.constant 0 : i32
    %sign3A_1 = arith.cmpi sgt, %arg1, %sign3A : i32
    %sign3A_2 = arith.extui %sign3A_1 : i1 to i32
    %sign3A_3 = arith.constant 0 : i32
    %sign3A_4 = arith.cmpi slt, %arg1, %sign3A_3 : i32
    %sign3A_5 = arith.extui %sign3A_4 : i1 to i32
    %sign3A_6 = arith.subi %sign3A_2, %sign3A_5 : i32
    %sign3A_7 = arith.constant 0 : i32
    %sign3A_8 = arith.cmpi sgt, %jit3A, %sign3A_7 : i32
    %sign3A_9 = arith.extui %sign3A_8 : i1 to i32
    %sign3A_10 = arith.constant 0 : i32
    %sign3A_11 = arith.cmpi slt, %jit3A, %sign3A_10 : i32
    %sign3A_12 = arith.extui %sign3A_11 : i1 to i32
    %sign3A_13 = arith.subi %sign3A_9, %sign3A_12 : i32
    %ne3A = arith.cmpi ne, %sign3A_6, %sign3A_13 : i32
    %rem3A = arith.remsi %arg1, %jit3A : i32
    %ne3A_14 = arith.constant 0 : i32
    %ne3A_15 = arith.cmpi ne, %rem3A, %ne3A_14 : i32
    %and3A = arith.andi %ne3A, %ne3A_15 : i1
    %sub3A = arith.constant 1 : i32
    %sub3A_16 = arith.subi %div3A, %sub3A : i32
    %select_n3A = arith.select %and3A, %sub3A_16, %div3A : i32
    %add3A = arith.addi %mul3A_0, %select_n3A : i32
    %jit3A_17 = arith.constant 4 : i32
    %eq3A = arith.constant 0 : i32
    %eq3A_18 = arith.cmpi eq, %jit3A_17, %eq3A : i32
    %jit3A_19 = arith.constant 1 : i32
    %select_n3A_20 = arith.select %eq3A_18, %jit3A_19, %jit3A_17 : i32
    %rem3A_21 = arith.remsi %arg1, %select_n3A_20 : i32
    %ne3A_22 = arith.constant 0 : i32
    %ne3A_23 = arith.cmpi ne, %rem3A_21, %ne3A_22 : i32
    %lt3A = arith.constant 0 : i32
    %lt3A_24 = arith.cmpi slt, %rem3A_21, %lt3A : i32
    %lt3A_25 = arith.constant 0 : i32
    %lt3A_26 = arith.cmpi slt, %select_n3A_20, %lt3A_25 : i32
    %ne3A_27 = arith.xori %lt3A_24, %lt3A_26 : i1
    %and3A_28 = arith.andi %ne3A_27, %ne3A_23 : i1
    %add3A_29 = arith.addi %rem3A_21, %select_n3A_20 : i32
    %select_n3A_30 = arith.select %and3A_28, %add3A_29, %rem3A_21 : i32
    %broadcast_in_dim3A = vector.broadcast %add3A : i32 to vector<16xi32>
    %dma_start3A = arith.constant 0 : i32
    %dma_start3A_31 = tpu.memref_slice %arg9[%dma_start3A] : memref<16xi32, #tpu.memory_space<hbm>> -> memref<16xi32, #tpu.memory_space<hbm>>
    tpu.enqueue_indirect_dma source(%dma_start3A_31 : memref<16xi32, #tpu.memory_space<hbm>>) target(%arg11 : memref<16xi32, #tpu.memory_space<vmem>>) offsets(%broadcast_in_dim3A : vector<16xi32>) semaphore(%arg16 : memref<!tpu.dma_semaphore, #tpu.memory_space<semaphore_mem>>)
    %dma_wait3A = arith.constant 0 : i32
    %dma_wait3A_32 = tpu.memref_slice %arg9[%dma_wait3A] : memref<16xi32, #tpu.memory_space<hbm>> -> memref<16xi32, #tpu.memory_space<hbm>>
    tpu.wait_indirect_dma semaphore(%arg16 : memref<!tpu.dma_semaphore, #tpu.memory_space<semaphore_mem>>) src(%dma_wait3A_32 : memref<16xi32, #tpu.memory_space<hbm>>) dst(%arg11 : memref<16xi32, #tpu.memory_space<vmem>>)
    %get3A = arith.constant 0 : index
    %get3A_33 = tpu.vector_load %arg11[%get3A] {strides = array<i32>} : memref<16xi32, #tpu.memory_space<vmem>>, vector<16xi32>,
    %dma_start3A_34 = arith.constant 0 : i32
    %dma_start3A_35 = tpu.memref_slice %arg7[%dma_start3A_34] : memref<14695xf32, #tpu.memory_space<hbm>> -> memref<14695xf32, #tpu.memory_space<hbm>>
    tpu.enqueue_indirect_dma source(%dma_start3A_35 : memref<14695xf32, #tpu.memory_space<hbm>>) target(%arg12 : memref<16xf32, #tpu.memory_space<vmem>>) offsets(%get3A_33 : vector<16xi32>) semaphore(%arg16 : memref<!tpu.dma_semaphore, #tpu.memory_space<semaphore_mem>>)
    %dma_start3A_36 = arith.constant 0 : i32
    %dma_start3A_37 = tpu.memref_slice %arg6[%dma_start3A_36] : memref<14695xf32, #tpu.memory_space<hbm>> -> memref<14695xf32, #tpu.memory_space<hbm>>
    tpu.enqueue_indirect_dma source(%dma_start3A_37 : memref<14695xf32, #tpu.memory_space<hbm>>) target(%arg13 : memref<16xf32, #tpu.memory_space<vmem>>) offsets(%get3A_33 : vector<16xi32>) semaphore(%arg16 : memref<!tpu.dma_semaphore, #tpu.memory_space<semaphore_mem>>)
    %broadcast_in_dim3A_38 = vector.broadcast %add3A : i32 to vector<16xi32>
    %dma_start3A_39 = arith.constant 0 : i32
    %dma_start3A_40 = tpu.memref_slice %arg8[%dma_start3A_39] : memref<16xf32, #tpu.memory_space<hbm>> -> memref<16xf32, #tpu.memory_space<hbm>>
    tpu.enqueue_indirect_dma source(%dma_start3A_40 : memref<16xf32, #tpu.memory_space<hbm>>) target(%arg14 : memref<16xf32, #tpu.memory_space<vmem>>) offsets(%broadcast_in_dim3A_38 : vector<16xi32>) semaphore(%arg16 : memref<!tpu.dma_semaphore, #tpu.memory_space<semaphore_mem>>)
    %dma_wait3A_41 = arith.constant 0 : i32
    %dma_wait3A_42 = tpu.memref_slice %arg7[%dma_wait3A_41] : memref<14695xf32, #tpu.memory_space<hbm>> -> memref<14695xf32, #tpu.memory_space<hbm>>
    tpu.wait_indirect_dma semaphore(%arg16 : memref<!tpu.dma_semaphore, #tpu.memory_space<semaphore_mem>>) src(%dma_wait3A_42 : memref<14695xf32, #tpu.memory_space<hbm>>) dst(%arg12 : memref<16xf32, #tpu.memory_space<vmem>>)
    %dma_wait3A_43 = arith.constant 0 : i32
    %dma_wait3A_44 = tpu.memref_slice %arg6[%dma_wait3A_43] : memref<14695xf32, #tpu.memory_space<hbm>> -> memref<14695xf32, #tpu.memory_space<hbm>>
    tpu.wait_indirect_dma semaphore(%arg16 : memref<!tpu.dma_semaphore, #tpu.memory_space<semaphore_mem>>) src(%dma_wait3A_44 : memref<14695xf32, #tpu.memory_space<hbm>>) dst(%arg13 : memref<16xf32, #tpu.memory_space<vmem>>)
    %dma_wait3A_45 = arith.constant 0 : i32
    %dma_wait3A_46 = tpu.memref_slice %arg8[%dma_wait3A_45] : memref<16xf32, #tpu.memory_space<hbm>> -> memref<16xf32, #tpu.memory_space<hbm>>
    tpu.wait_indirect_dma semaphore(%arg16 : memref<!tpu.dma_semaphore, #tpu.memory_space<semaphore_mem>>) src(%dma_wait3A_46 : memref<16xf32, #tpu.memory_space<hbm>>) dst(%arg14 : memref<16xf32, #tpu.memory_space<vmem>>)
    %get3A_47 = arith.constant 0 : index
    %get3A_48 = tpu.vector_load %arg12[%get3A_47] {strides = array<i32>} : memref<16xf32, #tpu.memory_space<vmem>>, vector<16xf32>,
    %sub3A_49 = arith.constant 1.000000e+00 : f32
    %sub3A_50 = vector.broadcast %sub3A_49 : f32 to vector<16xf32>
    %sub3A_51 = arith.subf %sub3A_50, %get3A_48 : vector<16xf32>
    %get3A_52 = arith.constant 0 : index
    %get3A_53 = tpu.vector_load %arg14[%get3A_52] {strides = array<i32>} : memref<16xf32, #tpu.memory_space<vmem>>, vector<16xf32>,
    %mul3A_54 = arith.mulf %sub3A_51, %get3A_53 : vector<16xf32>
    %get3A_55 = arith.constant 0 : index
    %get3A_56 = tpu.vector_load %arg13[%get3A_55] {strides = array<i32>} : memref<16xf32, #tpu.memory_space<vmem>>, vector<16xf32>,
    %mul3A_57 = arith.mulf %get3A_48, %get3A_56 : vector<16xf32>
    %add3A_58 = arith.addf %mul3A_54, %mul3A_57 : vector<16xf32>
    %broadcast_in_dim3A_59 = arith.constant 8 : i32
    %broadcast_in_dim3A_60 = vector.broadcast %broadcast_in_dim3A_59 : i32 to vector<16xi32>
    %dma_start3A_61 = arith.constant 0 : i32
    %dma_start3A_62 = tpu.memref_slice %arg8[%dma_start3A_61] : memref<16xf32, #tpu.memory_space<hbm>> -> memref<16xf32, #tpu.memory_space<hbm>>
    tpu.enqueue_indirect_dma source(%dma_start3A_62 : memref<16xf32, #tpu.memory_space<hbm>>) target(%arg14 : memref<16xf32, #tpu.memory_space<vmem>>) offsets(%broadcast_in_dim3A_60 : vector<16xi32>) semaphore(%arg16 : memref<!tpu.dma_semaphore, #tpu.memory_space<semaphore_mem>>)
    %dma_wait3A_63 = arith.constant 0 : i32
    %dma_wait3A_64 = tpu.memref_slice %arg8[%dma_wait3A_63] : memref<16xf32, #tpu.memory_space<hbm>> -> memref<16xf32, #tpu.memory_space<hbm>>
    tpu.wait_indirect_dma semaphore(%arg16 : memref<!tpu.dma_semaphore, #tpu.memory_space<semaphore_mem>>) src(%dma_wait3A_64 : memref<16xf32, #tpu.memory_space<hbm>>) dst(%arg14 : memref<16xf32, #tpu.memory_space<vmem>>)
    %get3A_65 = arith.constant 0 : index
    %get3A_66 = tpu.vector_load %arg14[%get3A_65] {strides = array<i32>} : memref<16xf32, #tpu.memory_space<vmem>>, vector<16xf32>,
    %add3A_67 = arith.addf %add3A_58, %get3A_66 : vector<16xf32>
    %mul3A_68 = arith.constant 15360 : i32
    %mul3A_69 = arith.muli %select_n3A_30, %mul3A_68 : i32
    "tpu.region"() ({
      %run_scoped3A_138 = tpu.sem_alloc : memref<!tpu.dma_semaphore, #tpu.memory_space<semaphore_mem>>
      %dma_start3A_139 = tpu.memref_slice %arg2[%mul3A_69] : memref<61440xf32, #tpu.memory_space<hbm>> -> memref<15360xf32, #tpu.memory_space<hbm>>
      %dma_start3A_140 = tpu.memref_slice %arg2[%mul3A_69] : memref<61440xf32, #tpu.memory_space<hbm>> -> memref<15360xf32, #tpu.memory_space<hbm>>
      tpu.enqueue_dma source(%dma_start3A_140 : memref<15360xf32, #tpu.memory_space<hbm>>) target(%arg15 : memref<15360xf32, #tpu.memory_space<vmem>>) target_semaphore(%run_scoped3A_138 : memref<!tpu.dma_semaphore, #tpu.memory_space<semaphore_mem>>)
      %dma_wait3A_141 = tpu.memref_slice %arg2[%mul3A_69] : memref<61440xf32, #tpu.memory_space<hbm>> -> memref<15360xf32, #tpu.memory_space<hbm>>
      %dma_wait3A_142 = tpu.memref_slice %arg2[%mul3A_69] : memref<61440xf32, #tpu.memory_space<hbm>> -> memref<15360xf32, #tpu.memory_space<hbm>>
      tpu.wait_dma2 semaphore(%run_scoped3A_138 : memref<!tpu.dma_semaphore, #tpu.memory_space<semaphore_mem>>) src(%dma_wait3A_142 : memref<15360xf32, #tpu.memory_space<hbm>>) dst(%arg15 : memref<15360xf32, #tpu.memory_space<vmem>>)
      tpu.yield
    }) : () -> ()
    %scan3A = arith.constant 0 : i32
    %scan3A_70 = arith.constant 0 : i32
    %scan3A_71 = arith.constant 120 : i32
    %scan3A_72 = arith.addi %scan3A_70, %scan3A_71 : i32
    %scan3A_73 = arith.constant 1 : i32
    %scan3A_74 = scf.for %scan3A_138 = %scan3A_70 to %scan3A_72 step %scan3A_73 iter_args(%scan3A_139 = %scan3A) -> (i32)  : i32 {
      %mul3A_140 = arith.constant 128 : i32
      %mul3A_141 = arith.muli %scan3A_138, %mul3A_140 : i32
      %add3A_142 = arith.constant 0 : i32
      %add3A_143 = arith.addi %mul3A_141, %add3A_142 : i32
      %get3A_144 = arith.index_cast %add3A_143 : i32 to index
      %get3A_145 = tpu.vector_load %arg15[%get3A_144] {strides = array<i32>} : memref<15360xf32, #tpu.memory_space<vmem>>, vector<16xf32>,
      %add3A_146 = arith.addf %get3A_145, %add3A_67 : vector<16xf32>
      %swap3A_147 = arith.index_cast %add3A_143 : i32 to index
      %swap3A_148 = tpu.vector_load %arg15[%swap3A_147] {strides = array<i32>} : memref<15360xf32, #tpu.memory_space<vmem>>, vector<16xf32>,
      tpu.vector_store %arg15[%swap3A_147], %add3A_146 {strides = array<i32>} : memref<15360xf32, #tpu.memory_space<vmem>>, vector<16xf32>,
      %mul3A_149 = arith.constant 128 : i32
      %mul3A_150 = arith.muli %scan3A_138, %mul3A_149 : i32
      %add3A_151 = arith.constant 16 : i32
      %add3A_152 = arith.addi %mul3A_150, %add3A_151 : i32
      %get3A_153 = arith.index_cast %add3A_152 : i32 to index
      %get3A_154 = tpu.vector_load %arg15[%get3A_153] {strides = array<i32>} : memref<15360xf32, #tpu.memory_space<vmem>>, vector<16xf32>,
      %add3A_155 = arith.addf %get3A_154, %add3A_67 : vector<16xf32>
      %swap3A_156 = arith.index_cast %add3A_152 : i32 to index
      %swap3A_157 = tpu.vector_load %arg15[%swap3A_156] {strides = array<i32>} : memref<15360xf32, #tpu.memory_space<vmem>>, vector<16xf32>,
      tpu.vector_store %arg15[%swap3A_156], %add3A_155 {strides = array<i32>} : memref<15360xf32, #tpu.memory_space<vmem>>, vector<16xf32>,
      %mul3A_158 = arith.constant 128 : i32
      %mul3A_159 = arith.muli %scan3A_138, %mul3A_158 : i32
      %add3A_160 = arith.constant 32 : i32
      %add3A_161 = arith.addi %mul3A_159, %add3A_160 : i32
      %get3A_162 = arith.index_cast %add3A_161 : i32 to index
      %get3A_163 = tpu.vector_load %arg15[%get3A_162] {strides = array<i32>} : memref<15360xf32, #tpu.memory_space<vmem>>, vector<16xf32>,
      %add3A_164 = arith.addf %get3A_163, %add3A_67 : vector<16xf32>
      %swap3A_165 = arith.index_cast %add3A_161 : i32 to index
      %swap3A_166 = tpu.vector_load %arg15[%swap3A_165] {strides = array<i32>} : memref<15360xf32, #tpu.memory_space<vmem>>, vector<16xf32>,
      tpu.vector_store %arg15[%swap3A_165], %add3A_164 {strides = array<i32>} : memref<15360xf32, #tpu.memory_space<vmem>>, vector<16xf32>,
      %mul3A_167 = arith.constant 128 : i32
      %mul3A_168 = arith.muli %scan3A_138, %mul3A_167 : i32
      %add3A_169 = arith.constant 48 : i32
      %add3A_170 = arith.addi %mul3A_168, %add3A_169 : i32
      %get3A_171 = arith.index_cast %add3A_170 : i32 to index
      %get3A_172 = tpu.vector_load %arg15[%get3A_171] {strides = array<i32>} : memref<15360xf32, #tpu.memory_space<vmem>>, vector<16xf32>,
      %add3A_173 = arith.addf %get3A_172, %add3A_67 : vector<16xf32>
      %swap3A_174 = arith.index_cast %add3A_170 : i32 to index
      %swap3A_175 = tpu.vector_load %arg15[%swap3A_174] {strides = array<i32>} : memref<15360xf32, #tpu.memory_space<vmem>>, vector<16xf32>,
      tpu.vector_store %arg15[%swap3A_174], %add3A_173 {strides = array<i32>} : memref<15360xf32, #tpu.memory_space<vmem>>, vector<16xf32>,
      %mul3A_176 = arith.constant 128 : i32
      %mul3A_177 = arith.muli %scan3A_138, %mul3A_176 : i32
      %add3A_178 = arith.constant 64 : i32
      %add3A_179 = arith.addi %mul3A_177, %add3A_178 : i32
      %get3A_180 = arith.index_cast %add3A_179 : i32 to index
      %get3A_181 = tpu.vector_load %arg15[%get3A_180] {strides = array<i32>} : memref<15360xf32, #tpu.memory_space<vmem>>, vector<16xf32>,
      %add3A_182 = arith.addf %get3A_181, %add3A_67 : vector<16xf32>
      %swap3A_183 = arith.index_cast %add3A_179 : i32 to index
      %swap3A_184 = tpu.vector_load %arg15[%swap3A_183] {strides = array<i32>} : memref<15360xf32, #tpu.memory_space<vmem>>, vector<16xf32>,
      tpu.vector_store %arg15[%swap3A_183], %add3A_182 {strides = array<i32>} : memref<15360xf32, #tpu.memory_space<vmem>>, vector<16xf32>,
      %mul3A_185 = arith.constant 128 : i32
      %mul3A_186 = arith.muli %scan3A_138, %mul3A_185 : i32
      %add3A_187 = arith.constant 80 : i32
      %add3A_188 = arith.addi %mul3A_186, %add3A_187 : i32
      %get3A_189 = arith.index_cast %add3A_188 : i32 to index
      %get3A_190 = tpu.vector_load %arg15[%get3A_189] {strides = array<i32>} : memref<15360xf32, #tpu.memory_space<vmem>>, vector<16xf32>,
      %add3A_191 = arith.addf %get3A_190, %add3A_67 : vector<16xf32>
      %swap3A_192 = arith.index_cast %add3A_188 : i32 to index
      %swap3A_193 = tpu.vector_load %arg15[%swap3A_192] {strides = array<i32>} : memref<15360xf32, #tpu.memory_space<vmem>>, vector<16xf32>,
      tpu.vector_store %arg15[%swap3A_192], %add3A_191 {strides = array<i32>} : memref<15360xf32, #tpu.memory_space<vmem>>, vector<16xf32>,
      %mul3A_194 = arith.constant 128 : i32
      %mul3A_195 = arith.muli %scan3A_138, %mul3A_194 : i32
      %add3A_196 = arith.constant 96 : i32
      %add3A_197 = arith.addi %mul3A_195, %add3A_196 : i32
      %get3A_198 = arith.index_cast %add3A_197 : i32 to index
      %get3A_199 = tpu.vector_load %arg15[%get3A_198] {strides = array<i32>} : memref<15360xf32, #tpu.memory_space<vmem>>, vector<16xf32>,
      %add3A_200 = arith.addf %get3A_199, %add3A_67 : vector<16xf32>
      %swap3A_201 = arith.index_cast %add3A_197 : i32 to index
      %swap3A_202 = tpu.vector_load %arg15[%swap3A_201] {strides = array<i32>} : memref<15360xf32, #tpu.memory_space<vmem>>, vector<16xf32>,
      tpu.vector_store %arg15[%swap3A_201], %add3A_200 {strides = array<i32>} : memref<15360xf32, #tpu.memory_space<vmem>>, vector<16xf32>,
      %mul3A_203 = arith.constant 128 : i32
      %mul3A_204 = arith.muli %scan3A_138, %mul3A_203 : i32
      %add3A_205 = arith.constant 112 : i32
      %add3A_206 = arith.addi %mul3A_204, %add3A_205 : i32
      %get3A_207 = arith.index_cast %add3A_206 : i32 to index
      %get3A_208 = tpu.vector_load %arg15[%get3A_207] {strides = array<i32>} : memref<15360xf32, #tpu.memory_space<vmem>>, vector<16xf32>,
      %add3A_209 = arith.addf %get3A_208, %add3A_67 : vector<16xf32>
      %swap3A_210 = arith.index_cast %add3A_206 : i32 to index
      %swap3A_211 = tpu.vector_load %arg15[%swap3A_210] {strides = array<i32>} : memref<15360xf32, #tpu.memory_space<vmem>>, vector<16xf32>,
      tpu.vector_store %arg15[%swap3A_210], %add3A_209 {strides = array<i32>} : memref<15360xf32, #tpu.memory_space<vmem>>, vector<16xf32>,
      %scan3A_212 = arith.constant 0 : i32
      scf.yield %scan3A_212 : i32
    }
    %scan3A_75 = arith.constant 120 : i32
    %mul3A_76 = arith.constant 61440 : i32
    %mul3A_77 = arith.muli %add3A, %mul3A_76 : i32
    %mul3A_78 = arith.constant 15360 : i32
    %mul3A_79 = arith.muli %select_n3A_30, %mul3A_78 : i32
    %add3A_80 = arith.addi %mul3A_77, %mul3A_79 : i32
    "tpu.region"() ({
      %run_scoped3A_138 = tpu.sem_alloc : memref<!tpu.dma_semaphore, #tpu.memory_space<semaphore_mem>>
      %dma_start3A_139 = tpu.memref_slice %arg10[%add3A_80] : memref<491520xf32, #tpu.memory_space<hbm>> -> memref<15360xf32, #tpu.memory_space<hbm>>
      %dma_start3A_140 = tpu.memref_slice %arg10[%add3A_80] : memref<491520xf32, #tpu.memory_space<hbm>> -> memref<15360xf32, #tpu.memory_space<hbm>>
      tpu.enqueue_dma source(%arg15 : memref<15360xf32, #tpu.memory_space<vmem>>) target(%dma_start3A_140 : memref<15360xf32, #tpu.memory_space<hbm>>) target_semaphore(%run_scoped3A_138 : memref<!tpu.dma_semaphore, #tpu.memory_space<semaphore_mem>>)
      %dma_wait3A_141 = tpu.memref_slice %arg10[%add3A_80] : memref<491520xf32, #tpu.memory_space<hbm>> -> memref<15360xf32, #tpu.memory_space<hbm>>
      %dma_wait3A_142 = tpu.memref_slice %arg10[%add3A_80] : memref<491520xf32, #tpu.memory_space<hbm>> -> memref<15360xf32, #tpu.memory_space<hbm>>
      tpu.wait_dma2 semaphore(%run_scoped3A_138 : memref<!tpu.dma_semaphore, #tpu.memory_space<semaphore_mem>>) src(%arg15 : memref<15360xf32, #tpu.memory_space<vmem>>) dst(%dma_wait3A_142 : memref<15360xf32, #tpu.memory_space<hbm>>)
      tpu.yield
    }) : () -> ()
    %barrier3A = arith.constant 0 : index
    tpu.barrier barrier_id(%barrier3A)
    %mul3A_81 = arith.constant 16 : i32
    %mul3A_82 = arith.muli %select_n3A_30, %mul3A_81 : i32
    %run_scoped3A = arith.constant 1 : i32
    "tpu.region"() ({
      %run_scoped3A_138 = tpu.sem_alloc : memref<!tpu.dma_semaphore, #tpu.memory_space<semaphore_mem>>
      %dma_start3A_139 = tpu.memref_slice %arg5[%add3A, %run_scoped3A, %mul3A_82] : memref<8x2x64xi32, #tpu.memory_space<hbm>> -> memref<1x1x16xi32, #tpu.memory_space<hbm>>
      %dma_start3A_140 = tpu.memref_squeeze %dma_start3A_139 : memref<1x1x16xi32, #tpu.memory_space<hbm>> -> memref<16xi32, #tpu.memory_space<hbm>>
      %dma_start3A_141 = tpu.memref_slice %arg5[%add3A, %run_scoped3A, %mul3A_82] : memref<8x2x64xi32, #tpu.memory_space<hbm>> -> memref<1x1x16xi32, #tpu.memory_space<hbm>>
      %dma_start3A_142 = tpu.memref_squeeze %dma_start3A_141 : memref<1x1x16xi32, #tpu.memory_space<hbm>> -> memref<16xi32, #tpu.memory_space<hbm>>
      tpu.enqueue_dma source(%dma_start3A_142 : memref<16xi32, #tpu.memory_space<hbm>>) target(%arg11 : memref<16xi32, #tpu.memory_space<vmem>>) target_semaphore(%run_scoped3A_138 : memref<!tpu.dma_semaphore, #tpu.memory_space<semaphore_mem>>)
      %dma_wait3A_143 = tpu.memref_slice %arg5[%add3A, %run_scoped3A, %mul3A_82] : memref<8x2x64xi32, #tpu.memory_space<hbm>> -> memref<1x1x16xi32, #tpu.memory_space<hbm>>
      %dma_wait3A_144 = tpu.memref_squeeze %dma_wait3A_143 : memref<1x1x16xi32, #tpu.memory_space<hbm>> -> memref<16xi32, #tpu.memory_space<hbm>>
      %dma_wait3A_145 = tpu.memref_slice %arg5[%add3A, %run_scoped3A, %mul3A_82] : memref<8x2x64xi32, #tpu.memory_space<hbm>> -> memref<1x1x16xi32, #tpu.memory_space<hbm>>
      %dma_wait3A_146 = tpu.memref_squeeze %dma_wait3A_145 : memref<1x1x16xi32, #tpu.memory_space<hbm>> -> memref<16xi32, #tpu.memory_space<hbm>>
      tpu.wait_dma2 semaphore(%run_scoped3A_138 : memref<!tpu.dma_semaphore, #tpu.memory_space<semaphore_mem>>) src(%dma_wait3A_146 : memref<16xi32, #tpu.memory_space<hbm>>) dst(%arg11 : memref<16xi32, #tpu.memory_space<vmem>>)
      tpu.yield
    }) : () -> ()
    %get3A_83 = arith.constant 0 : index
    %get3A_84 = tpu.vector_load %arg11[%get3A_83] {strides = array<i32>} : memref<16xi32, #tpu.memory_space<vmem>>, vector<16xi32>,
    %mul3A_85 = arith.constant 61440 : i32
    %mul3A_86 = arith.muli %add3A, %mul3A_85 : i32
    %add3A_87 = vector.broadcast %mul3A_86 : i32 to vector<16xi32>
    %add3A_88 = arith.addi %get3A_84, %add3A_87 : vector<16xi32>
    %dma_start3A_89 = arith.constant 0 : i32
    %dma_start3A_90 = tpu.memref_slice %arg10[%dma_start3A_89] : memref<491520xf32, #tpu.memory_space<hbm>> -> memref<491520xf32, #tpu.memory_space<hbm>>
    tpu.enqueue_indirect_dma source(%dma_start3A_90 : memref<491520xf32, #tpu.memory_space<hbm>>) target(%arg12 : memref<16xf32, #tpu.memory_space<vmem>>) offsets(%add3A_88 : vector<16xi32>) semaphore(%arg16 : memref<!tpu.dma_semaphore, #tpu.memory_space<semaphore_mem>>)
    %dma_start3A_91 = arith.constant 0 : i32
    %dma_start3A_92 = tpu.memref_slice %arg3[%dma_start3A_91] : memref<61440xf32, #tpu.memory_space<hbm>> -> memref<61440xf32, #tpu.memory_space<hbm>>
    tpu.enqueue_indirect_dma source(%dma_start3A_92 : memref<61440xf32, #tpu.memory_space<hbm>>) target(%arg13 : memref<16xf32, #tpu.memory_space<vmem>>) offsets(%get3A_84 : vector<16xi32>) semaphore(%arg16 : memref<!tpu.dma_semaphore, #tpu.memory_space<semaphore_mem>>)
    %dma_wait3A_93 = arith.constant 0 : i32
    %dma_wait3A_94 = tpu.memref_slice %arg10[%dma_wait3A_93] : memref<491520xf32, #tpu.memory_space<hbm>> -> memref<491520xf32, #tpu.memory_space<hbm>>
    tpu.wait_indirect_dma semaphore(%arg16 : memref<!tpu.dma_semaphore, #tpu.memory_space<semaphore_mem>>) src(%dma_wait3A_94 : memref<491520xf32, #tpu.memory_space<hbm>>) dst(%arg12 : memref<16xf32, #tpu.memory_space<vmem>>)
    %dma_wait3A_95 = arith.constant 0 : i32
    %dma_wait3A_96 = tpu.memref_slice %arg3[%dma_wait3A_95] : memref<61440xf32, #tpu.memory_space<hbm>> -> memref<61440xf32, #tpu.memory_space<hbm>>
    tpu.wait_indirect_dma semaphore(%arg16 : memref<!tpu.dma_semaphore, #tpu.memory_space<semaphore_mem>>) src(%dma_wait3A_96 : memref<61440xf32, #tpu.memory_space<hbm>>) dst(%arg13 : memref<16xf32, #tpu.memory_space<vmem>>)
    %barrier3A_97 = arith.constant 0 : index
    tpu.barrier barrier_id(%barrier3A_97)
    %get3A_98 = arith.constant 0 : index
    %get3A_99 = tpu.vector_load %arg12[%get3A_98] {strides = array<i32>} : memref<16xf32, #tpu.memory_space<vmem>>, vector<16xf32>,
    %get3A_100 = arith.constant 0 : index
    %get3A_101 = tpu.vector_load %arg13[%get3A_100] {strides = array<i32>} : memref<16xf32, #tpu.memory_space<vmem>>, vector<16xf32>,
    %add3A_102 = arith.addf %get3A_99, %get3A_101 : vector<16xf32>
    %swap3A = arith.constant 0 : index
    %swap3A_103 = tpu.vector_load %arg14[%swap3A] {strides = array<i32>} : memref<16xf32, #tpu.memory_space<vmem>>, vector<16xf32>,
    tpu.vector_store %arg14[%swap3A], %add3A_102 {strides = array<i32>} : memref<16xf32, #tpu.memory_space<vmem>>, vector<16xf32>,
    %dma_start3A_104 = arith.constant 0 : i32
    %dma_start3A_105 = tpu.memref_slice %arg10[%dma_start3A_104] : memref<491520xf32, #tpu.memory_space<hbm>> -> memref<491520xf32, #tpu.memory_space<hbm>>
    tpu.enqueue_indirect_dma source(%arg14 : memref<16xf32, #tpu.memory_space<vmem>>) target(%dma_start3A_105 : memref<491520xf32, #tpu.memory_space<hbm>>) offsets(%add3A_88 : vector<16xi32>) semaphore(%arg16 : memref<!tpu.dma_semaphore, #tpu.memory_space<semaphore_mem>>)
    %dma_wait3A_106 = arith.constant 0 : i32
    %dma_wait3A_107 = tpu.memref_slice %arg10[%dma_wait3A_106] : memref<491520xf32, #tpu.memory_space<hbm>> -> memref<491520xf32, #tpu.memory_space<hbm>>
    tpu.wait_indirect_dma semaphore(%arg16 : memref<!tpu.dma_semaphore, #tpu.memory_space<semaphore_mem>>) src(%arg14 : memref<16xf32, #tpu.memory_space<vmem>>) dst(%dma_wait3A_107 : memref<491520xf32, #tpu.memory_space<hbm>>)
    %barrier3A_108 = arith.constant 0 : index
    tpu.barrier barrier_id(%barrier3A_108)
    %mul3A_109 = arith.constant 16 : i32
    %mul3A_110 = arith.muli %select_n3A_30, %mul3A_109 : i32
    %run_scoped3A_111 = arith.constant 0 : i32
    "tpu.region"() ({
      %run_scoped3A_138 = tpu.sem_alloc : memref<!tpu.dma_semaphore, #tpu.memory_space<semaphore_mem>>
      %dma_start3A_139 = tpu.memref_slice %arg5[%add3A, %run_scoped3A_111, %mul3A_110] : memref<8x2x64xi32, #tpu.memory_space<hbm>> -> memref<1x1x16xi32, #tpu.memory_space<hbm>>
      %dma_start3A_140 = tpu.memref_squeeze %dma_start3A_139 : memref<1x1x16xi32, #tpu.memory_space<hbm>> -> memref<16xi32, #tpu.memory_space<hbm>>
      %dma_start3A_141 = tpu.memref_slice %arg5[%add3A, %run_scoped3A_111, %mul3A_110] : memref<8x2x64xi32, #tpu.memory_space<hbm>> -> memref<1x1x16xi32, #tpu.memory_space<hbm>>
      %dma_start3A_142 = tpu.memref_squeeze %dma_start3A_141 : memref<1x1x16xi32, #tpu.memory_space<hbm>> -> memref<16xi32, #tpu.memory_space<hbm>>
      tpu.enqueue_dma source(%dma_start3A_142 : memref<16xi32, #tpu.memory_space<hbm>>) target(%arg11 : memref<16xi32, #tpu.memory_space<vmem>>) target_semaphore(%run_scoped3A_138 : memref<!tpu.dma_semaphore, #tpu.memory_space<semaphore_mem>>)
      %dma_wait3A_143 = tpu.memref_slice %arg5[%add3A, %run_scoped3A_111, %mul3A_110] : memref<8x2x64xi32, #tpu.memory_space<hbm>> -> memref<1x1x16xi32, #tpu.memory_space<hbm>>
      %dma_wait3A_144 = tpu.memref_squeeze %dma_wait3A_143 : memref<1x1x16xi32, #tpu.memory_space<hbm>> -> memref<16xi32, #tpu.memory_space<hbm>>
      %dma_wait3A_145 = tpu.memref_slice %arg5[%add3A, %run_scoped3A_111, %mul3A_110] : memref<8x2x64xi32, #tpu.memory_space<hbm>> -> memref<1x1x16xi32, #tpu.memory_space<hbm>>
      %dma_wait3A_146 = tpu.memref_squeeze %dma_wait3A_145 : memref<1x1x16xi32, #tpu.memory_space<hbm>> -> memref<16xi32, #tpu.memory_space<hbm>>
      tpu.wait_dma2 semaphore(%run_scoped3A_138 : memref<!tpu.dma_semaphore, #tpu.memory_space<semaphore_mem>>) src(%dma_wait3A_146 : memref<16xi32, #tpu.memory_space<hbm>>) dst(%arg11 : memref<16xi32, #tpu.memory_space<vmem>>)
      tpu.yield
    }) : () -> ()
    %get3A_112 = arith.constant 0 : index
    %get3A_113 = tpu.vector_load %arg11[%get3A_112] {strides = array<i32>} : memref<16xi32, #tpu.memory_space<vmem>>, vector<16xi32>,
    %mul3A_114 = arith.constant 61440 : i32
    %mul3A_115 = arith.muli %add3A, %mul3A_114 : i32
    %add3A_116 = vector.broadcast %mul3A_115 : i32 to vector<16xi32>
    %add3A_117 = arith.addi %get3A_113, %add3A_116 : vector<16xi32>
    %dma_start3A_118 = arith.constant 0 : i32
    %dma_start3A_119 = tpu.memref_slice %arg10[%dma_start3A_118] : memref<491520xf32, #tpu.memory_space<hbm>> -> memref<491520xf32, #tpu.memory_space<hbm>>
    tpu.enqueue_indirect_dma source(%dma_start3A_119 : memref<491520xf32, #tpu.memory_space<hbm>>) target(%arg12 : memref<16xf32, #tpu.memory_space<vmem>>) offsets(%add3A_117 : vector<16xi32>) semaphore(%arg16 : memref<!tpu.dma_semaphore, #tpu.memory_space<semaphore_mem>>)
    %dma_start3A_120 = arith.constant 0 : i32
    %dma_start3A_121 = tpu.memref_slice %arg4[%dma_start3A_120] : memref<61440xf32, #tpu.memory_space<hbm>> -> memref<61440xf32, #tpu.memory_space<hbm>>
    tpu.enqueue_indirect_dma source(%dma_start3A_121 : memref<61440xf32, #tpu.memory_space<hbm>>) target(%arg13 : memref<16xf32, #tpu.memory_space<vmem>>) offsets(%get3A_113 : vector<16xi32>) semaphore(%arg16 : memref<!tpu.dma_semaphore, #tpu.memory_space<semaphore_mem>>)
    %dma_wait3A_122 = arith.constant 0 : i32
    %dma_wait3A_123 = tpu.memref_slice %arg10[%dma_wait3A_122] : memref<491520xf32, #tpu.memory_space<hbm>> -> memref<491520xf32, #tpu.memory_space<hbm>>
    tpu.wait_indirect_dma semaphore(%arg16 : memref<!tpu.dma_semaphore, #tpu.memory_space<semaphore_mem>>) src(%dma_wait3A_123 : memref<491520xf32, #tpu.memory_space<hbm>>) dst(%arg12 : memref<16xf32, #tpu.memory_space<vmem>>)
    %dma_wait3A_124 = arith.constant 0 : i32
    %dma_wait3A_125 = tpu.memref_slice %arg4[%dma_wait3A_124] : memref<61440xf32, #tpu.memory_space<hbm>> -> memref<61440xf32, #tpu.memory_space<hbm>>
    tpu.wait_indirect_dma semaphore(%arg16 : memref<!tpu.dma_semaphore, #tpu.memory_space<semaphore_mem>>) src(%dma_wait3A_125 : memref<61440xf32, #tpu.memory_space<hbm>>) dst(%arg13 : memref<16xf32, #tpu.memory_space<vmem>>)
    %barrier3A_126 = arith.constant 0 : index
    tpu.barrier barrier_id(%barrier3A_126)
    %get3A_127 = arith.constant 0 : index
    %get3A_128 = tpu.vector_load %arg12[%get3A_127] {strides = array<i32>} : memref<16xf32, #tpu.memory_space<vmem>>, vector<16xf32>,
    %get3A_129 = arith.constant 0 : index
    %get3A_130 = tpu.vector_load %arg13[%get3A_129] {strides = array<i32>} : memref<16xf32, #tpu.memory_space<vmem>>, vector<16xf32>,
    %add3A_131 = arith.addf %get3A_128, %get3A_130 : vector<16xf32>
    %swap3A_132 = arith.constant 0 : index
    %swap3A_133 = tpu.vector_load %arg14[%swap3A_132] {strides = array<i32>} : memref<16xf32, #tpu.memory_space<vmem>>, vector<16xf32>,
    tpu.vector_store %arg14[%swap3A_132], %add3A_131 {strides = array<i32>} : memref<16xf32, #tpu.memory_space<vmem>>, vector<16xf32>,
    %dma_start3A_134 = arith.constant 0 : i32
    %dma_start3A_135 = tpu.memref_slice %arg10[%dma_start3A_134] : memref<491520xf32, #tpu.memory_space<hbm>> -> memref<491520xf32, #tpu.memory_space<hbm>>
    tpu.enqueue_indirect_dma source(%arg14 : memref<16xf32, #tpu.memory_space<vmem>>) target(%dma_start3A_135 : memref<491520xf32, #tpu.memory_space<hbm>>) offsets(%add3A_117 : vector<16xi32>) semaphore(%arg16 : memref<!tpu.dma_semaphore, #tpu.memory_space<semaphore_mem>>)
    %dma_wait3A_136 = arith.constant 0 : i32
    %dma_wait3A_137 = tpu.memref_slice %arg10[%dma_wait3A_136] : memref<491520xf32, #tpu.memory_space<hbm>> -> memref<491520xf32, #tpu.memory_space<hbm>>
    tpu.wait_indirect_dma semaphore(%arg16 : memref<!tpu.dma_semaphore, #tpu.memory_space<semaphore_mem>>) src(%arg14 : memref<16xf32, #tpu.memory_space<vmem>>) dst(%dma_wait3A_137 : memref<491520xf32, #tpu.memory_space<hbm>>)
    return
  }
}

module attributes {stable_mosaic.version = 14 : i64} {
  func.func @_small_body(%arg0: i32, %arg1: memref<64x8xf32, #tpu.memory_space<vmem>>, %arg2: memref<64x14695xf32, #tpu.memory_space<vmem>>, %arg3: memref<64x64xf32, #tpu.memory_space<vmem>>, %arg4: memref<1x64xf32, #tpu.memory_space<vmem>>, %arg5: memref<1x64xf32, #tpu.memory_space<vmem>>, %arg6: memref<64x1xf32, #tpu.memory_space<vmem>>, %arg7: memref<1xf32, #tpu.memory_space<vmem>>, %arg8: memref<1x64xf32, #tpu.memory_space<vmem>>, %arg9: memref<1xf32, #tpu.memory_space<vmem>>, %arg10: memref<64x32xf32, #tpu.memory_space<vmem>>, %arg11: memref<1x64xf32, #tpu.memory_space<vmem>>, %arg12: memref<1x64xf32, #tpu.memory_space<vmem>>, %arg13: memref<1x1xf32, #tpu.memory_space<vmem>>, %arg14: memref<1x32xf32, #tpu.memory_space<vmem>>, %arg15: memref<1x1xf32, #tpu.memory_space<vmem>>, %arg16: memref<1x14695xf32, #tpu.memory_space<vmem>>, %arg17: memref<1x16xf32, #tpu.memory_space<vmem>>) attributes {dimension_semantics = [#tpu.dimension_semantics<arbitrary>], iteration_bounds = array<i64: 1>, scalar_prefetch = 0 : i64, scratch_operands = 0 : i64, tpu.core_type = #tpu.core_type<tc>, window_params = [{pipeline_mode = #tpu.pipeline_mode<synchronous>, transform_indices = @transform_0, window_bounds = array<i64: 64, 8>}, {pipeline_mode = #tpu.pipeline_mode<synchronous>, transform_indices = @transform_1, window_bounds = array<i64: 64, 14695>}, {pipeline_mode = #tpu.pipeline_mode<synchronous>, transform_indices = @transform_2, window_bounds = array<i64: 64, 64>}, {pipeline_mode = #tpu.pipeline_mode<synchronous>, transform_indices = @transform_3, window_bounds = array<i64: 1, 64>}, {pipeline_mode = #tpu.pipeline_mode<synchronous>, transform_indices = @transform_4, window_bounds = array<i64: 1, 64>}, {pipeline_mode = #tpu.pipeline_mode<synchronous>, transform_indices = @transform_5, window_bounds = array<i64: 64, 1>}, {pipeline_mode = #tpu.pipeline_mode<synchronous>, transform_indices = @transform_6, window_bounds = array<i64: 1>}, {pipeline_mode = #tpu.pipeline_mode<synchronous>, transform_indices = @transform_7, window_bounds = array<i64: 1, 64>}, {pipeline_mode = #tpu.pipeline_mode<synchronous>, transform_indices = @transform_8, window_bounds = array<i64: 1>}, {pipeline_mode = #tpu.pipeline_mode<synchronous>, transform_indices = @transform_9, window_bounds = array<i64: 64, 32>}, {pipeline_mode = #tpu.pipeline_mode<synchronous>, transform_indices = @transform_10, window_bounds = array<i64: 1, 64>}, {pipeline_mode = #tpu.pipeline_mode<synchronous>, transform_indices = @transform_11, window_bounds = array<i64: 1, 64>}, {pipeline_mode = #tpu.pipeline_mode<synchronous>, transform_indices = @transform_12, window_bounds = array<i64: 1, 1>}, {pipeline_mode = #tpu.pipeline_mode<synchronous>, transform_indices = @transform_13, window_bounds = array<i64: 1, 32>}, {pipeline_mode = #tpu.pipeline_mode<synchronous>, transform_indices = @transform_14, window_bounds = array<i64: 1, 1>}, {pipeline_mode = #tpu.pipeline_mode<synchronous>, transform_indices = @transform_15, window_bounds = array<i64: 1, 14695>}, {pipeline_mode = #tpu.pipeline_mode<synchronous>, transform_indices = @transform_16, window_bounds = array<i64: 1, 16>}]} {
    %get3A = arith.constant 0 : index
    %get3A_0 = arith.constant 0 : index
    %get3A_1 = vector.load %arg5[%get3A, %get3A_0] : memref<1x64xf32, #tpu.memory_space<vmem>>, vector<1x64xf32>
    %get3A_2 = arith.constant 0 : index
    %get3A_3 = arith.constant 0 : index
    %get3A_4 = vector.load %arg6[%get3A_2, %get3A_3] : memref<64x1xf32, #tpu.memory_space<vmem>>, vector<64x1xf32>
    %get3A_5 = arith.constant 0 : index
    %get3A_6 = arith.constant 0 : index
    %get3A_7 = vector.load %arg3[%get3A_5, %get3A_6] : memref<64x64xf32, #tpu.memory_space<vmem>>, vector<64x64xf32>
    %dot_general3A = arith.constant dense<0.000000e+00> : vector<1x64xf32>
    %dot_general3A_8 = tpu.matmul %get3A_1, %get3A_7, %dot_general3A {dimension_numbers = #tpu.dot_dimension_numbers<[1], [0], [0], [1], [0, 0, 1, 1], [], []>, transpose_lhs_hint = false} : vector<1x64xf32>, vector<64x64xf32>, vector<1x64xf32> -> vector<1x64xf32>
    %swap3A = arith.constant 0 : index
    %swap3A_9 = arith.constant 0 : index
    %swap3A_10 = vector.load %arg12[%swap3A, %swap3A_9] : memref<1x64xf32, #tpu.memory_space<vmem>>, vector<1x64xf32>
    tpu.vector_store %arg12[%swap3A, %swap3A_9], %dot_general3A_8 {strides = array<i32>} : memref<1x64xf32, #tpu.memory_space<vmem>>, vector<1x64xf32>,
    %get3A_11 = arith.constant 0 : index
    %get3A_12 = arith.constant 0 : index
    %get3A_13 = vector.load %arg4[%get3A_11, %get3A_12] : memref<1x64xf32, #tpu.memory_space<vmem>>, vector<1x64xf32>
    %dot_general3A_14 = arith.constant dense<0.000000e+00> : vector<1x1xf32>
    %dot_general3A_15 = tpu.matmul %get3A_13, %get3A_4, %dot_general3A_14 {dimension_numbers = #tpu.dot_dimension_numbers<[1], [0], [0], [1], [0, 0, 1, 1], [], []>, transpose_lhs_hint = false} : vector<1x64xf32>, vector<64x1xf32>, vector<1x1xf32> -> vector<1x1xf32>
    %swap3A_16 = arith.constant 0 : index
    %swap3A_17 = arith.constant 0 : index
    %swap3A_18 = vector.load %arg13[%swap3A_16, %swap3A_17] : memref<1x1xf32, #tpu.memory_space<vmem>>, vector<1x1xf32>
    tpu.vector_store %arg13[%swap3A_16, %swap3A_17], %dot_general3A_15 {strides = array<i32>} : memref<1x1xf32, #tpu.memory_space<vmem>>, vector<1x1xf32>,
    %get3A_19 = arith.constant 0 : index
    %get3A_20 = arith.constant 0 : index
    %get3A_21 = vector.load %arg10[%get3A_19, %get3A_20] : memref<64x32xf32, #tpu.memory_space<vmem>>, vector<64x32xf32>
    %dot_general3A_22 = arith.constant dense<0.000000e+00> : vector<1x32xf32>
    %dot_general3A_23 = tpu.matmul %get3A_1, %get3A_21, %dot_general3A_22 {dimension_numbers = #tpu.dot_dimension_numbers<[1], [0], [0], [1], [0, 0, 1, 1], [], []>, transpose_lhs_hint = false} : vector<1x64xf32>, vector<64x32xf32>, vector<1x32xf32> -> vector<1x32xf32>
    %swap3A_24 = arith.constant 0 : index
    %swap3A_25 = arith.constant 0 : index
    %swap3A_26 = vector.load %arg14[%swap3A_24, %swap3A_25] : memref<1x32xf32, #tpu.memory_space<vmem>>, vector<1x32xf32>
    tpu.vector_store %arg14[%swap3A_24, %swap3A_25], %dot_general3A_23 {strides = array<i32>} : memref<1x32xf32, #tpu.memory_space<vmem>>, vector<1x32xf32>,
    %get3A_27 = arith.constant 0 : index
    %get3A_28 = arith.constant 0 : index
    %get3A_29 = vector.load %arg11[%get3A_27, %get3A_28] : memref<1x64xf32, #tpu.memory_space<vmem>>, vector<1x64xf32>
    %dot_general3A_30 = arith.constant dense<0.000000e+00> : vector<1x1xf32>
    %dot_general3A_31 = tpu.matmul %get3A_29, %get3A_4, %dot_general3A_30 {dimension_numbers = #tpu.dot_dimension_numbers<[1], [0], [0], [1], [0, 0, 1, 1], [], []>, transpose_lhs_hint = false} : vector<1x64xf32>, vector<64x1xf32>, vector<1x1xf32> -> vector<1x1xf32>
    %swap3A_32 = arith.constant 0 : index
    %swap3A_33 = arith.constant 0 : index
    %swap3A_34 = vector.load %arg15[%swap3A_32, %swap3A_33] : memref<1x1xf32, #tpu.memory_space<vmem>>, vector<1x1xf32>
    tpu.vector_store %arg15[%swap3A_32, %swap3A_33], %dot_general3A_31 {strides = array<i32>} : memref<1x1xf32, #tpu.memory_space<vmem>>, vector<1x1xf32>,
    %get3A_35 = arith.constant 0 : index
    %get3A_36 = arith.constant 0 : index
    %get3A_37 = vector.load %arg8[%get3A_35, %get3A_36] : memref<1x64xf32, #tpu.memory_space<vmem>>, vector<1x64xf32>
    %get3A_38 = arith.constant 0 : index
    %get3A_39 = arith.constant 0 : index
    %get3A_40 = vector.load %arg2[%get3A_38, %get3A_39] : memref<64x14695xf32, #tpu.memory_space<vmem>>, vector<64x14695xf32>
    %dot_general3A_41 = arith.constant dense<0.000000e+00> : vector<1x14695xf32>
    %dot_general3A_42 = tpu.matmul %get3A_37, %get3A_40, %dot_general3A_41 {dimension_numbers = #tpu.dot_dimension_numbers<[1], [0], [0], [1], [0, 0, 1, 1], [], []>, transpose_lhs_hint = false} : vector<1x64xf32>, vector<64x14695xf32>, vector<1x14695xf32> -> vector<1x14695xf32>
    %swap3A_43 = arith.constant 0 : index
    %swap3A_44 = arith.constant 0 : index
    %swap3A_45 = vector.load %arg16[%swap3A_43, %swap3A_44] : memref<1x14695xf32, #tpu.memory_space<vmem>>, vector<1x14695xf32>
    tpu.vector_store %arg16[%swap3A_43, %swap3A_44], %dot_general3A_42 {strides = array<i32>} : memref<1x14695xf32, #tpu.memory_space<vmem>>, vector<1x14695xf32>,
    %get3A_46 = arith.constant 0 : index
    %get3A_47 = arith.constant 0 : index
    %get3A_48 = vector.load %arg1[%get3A_46, %get3A_47] : memref<64x8xf32, #tpu.memory_space<vmem>>, vector<64x8xf32>
    %dot_general3A_49 = arith.constant dense<0.000000e+00> : vector<1x8xf32>
    %dot_general3A_50 = tpu.matmul %get3A_37, %get3A_48, %dot_general3A_49 {dimension_numbers = #tpu.dot_dimension_numbers<[1], [0], [0], [1], [0, 0, 1, 1], [], []>, transpose_lhs_hint = false} : vector<1x64xf32>, vector<64x8xf32>, vector<1x8xf32> -> vector<1x8xf32>
    %get3A_51 = arith.constant 0 : index
    %get3A_52 = vector.load %arg9[%get3A_51] : memref<1xf32, #tpu.memory_space<vmem>>, vector<1xf32>
    %get3A_53 = vector.extract %get3A_52[0] : f32 from vector<1xf32>
    %get3A_54 = arith.constant 0 : index
    %get3A_55 = vector.load %arg7[%get3A_54] : memref<1xf32, #tpu.memory_space<vmem>>, vector<1xf32>
    %get3A_56 = vector.extract %get3A_55[0] : f32 from vector<1xf32>
    %add3A = arith.addf %get3A_53, %get3A_56 : f32
    %broadcast_in_dim3A = vector.broadcast %add3A : f32 to vector<1x8xf32>
    %concatenate3A = tpu.concatenate %dot_general3A_50, %broadcast_in_dim3A in 1 : vector<1x8xf32>, vector<1x8xf32> -> vector<1x16xf32>
    %swap3A_57 = arith.constant 0 : index
    %swap3A_58 = arith.constant 0 : index
    %swap3A_59 = vector.load %arg17[%swap3A_57, %swap3A_58] : memref<1x16xf32, #tpu.memory_space<vmem>>, vector<1x16xf32>
    tpu.vector_store %arg17[%swap3A_57, %swap3A_58], %concatenate3A {strides = array<i32>} : memref<1x16xf32, #tpu.memory_space<vmem>>, vector<1x16xf32>,
    return
  }
  func.func @transform_0(%arg0: i32) -> (i32, i32) {
    %c0_i32 = arith.constant 0 : i32
    %c0_i32_0 = arith.constant 0 : i32
    %c0_i32_1 = arith.constant 0 : i32
    return %c0_i32, %c0_i32_0 : i32, i32
  }
  func.func @transform_1(%arg0: i32) -> (i32, i32) {
    %c0_i32 = arith.constant 0 : i32
    %c0_i32_0 = arith.constant 0 : i32
    %c0_i32_1 = arith.constant 0 : i32
    return %c0_i32, %c0_i32_0 : i32, i32
  }
  func.func @transform_2(%arg0: i32) -> (i32, i32) {
    %c0_i32 = arith.constant 0 : i32
    %c0_i32_0 = arith.constant 0 : i32
    %c0_i32_1 = arith.constant 0 : i32
    return %c0_i32, %c0_i32_0 : i32, i32
  }
  func.func @transform_3(%arg0: i32) -> (i32, i32) {
    %c0_i32 = arith.constant 0 : i32
    %c0_i32_0 = arith.constant 0 : i32
    %c0_i32_1 = arith.constant 0 : i32
    return %c0_i32, %c0_i32_0 : i32, i32
  }
  func.func @transform_4(%arg0: i32) -> (i32, i32) {
    %c0_i32 = arith.constant 0 : i32
    %c0_i32_0 = arith.constant 0 : i32
    %c0_i32_1 = arith.constant 0 : i32
    return %c0_i32, %c0_i32_0 : i32, i32
  }
  func.func @transform_5(%arg0: i32) -> (i32, i32) {
    %c0_i32 = arith.constant 0 : i32
    %c0_i32_0 = arith.constant 0 : i32
    %c0_i32_1 = arith.constant 0 : i32
    return %c0_i32, %c0_i32_0 : i32, i32
  }
  func.func @transform_6(%arg0: i32) -> i32 {
    %c0_i32 = arith.constant 0 : i32
    %c0_i32_0 = arith.constant 0 : i32
    return %c0_i32 : i32
  }
  func.func @transform_7(%arg0: i32) -> (i32, i32) {
    %c0_i32 = arith.constant 0 : i32
    %c0_i32_0 = arith.constant 0 : i32
    %c0_i32_1 = arith.constant 0 : i32
    return %c0_i32, %c0_i32_0 : i32, i32
  }
  func.func @transform_8(%arg0: i32) -> i32 {
    %c0_i32 = arith.constant 0 : i32
    %c0_i32_0 = arith.constant 0 : i32
    return %c0_i32 : i32
  }
  func.func @transform_9(%arg0: i32) -> (i32, i32) {
    %c0_i32 = arith.constant 0 : i32
    %c0_i32_0 = arith.constant 0 : i32
    %c0_i32_1 = arith.constant 0 : i32
    return %c0_i32, %c0_i32_0 : i32, i32
  }
  func.func @transform_10(%arg0: i32) -> (i32, i32) {
    %c0_i32 = arith.constant 0 : i32
    %c0_i32_0 = arith.constant 0 : i32
    %c0_i32_1 = arith.constant 0 : i32
    return %c0_i32, %c0_i32_0 : i32, i32
  }
  func.func @transform_11(%arg0: i32) -> (i32, i32) {
    %c0_i32 = arith.constant 0 : i32
    %c0_i32_0 = arith.constant 0 : i32
    %c0_i32_1 = arith.constant 0 : i32
    return %c0_i32, %c0_i32_0 : i32, i32
  }
  func.func @transform_12(%arg0: i32) -> (i32, i32) {
    %c0_i32 = arith.constant 0 : i32
    %c0_i32_0 = arith.constant 0 : i32
    %c0_i32_1 = arith.constant 0 : i32
    return %c0_i32, %c0_i32_0 : i32, i32
  }
  func.func @transform_13(%arg0: i32) -> (i32, i32) {
    %c0_i32 = arith.constant 0 : i32
    %c0_i32_0 = arith.constant 0 : i32
    %c0_i32_1 = arith.constant 0 : i32
    return %c0_i32, %c0_i32_0 : i32, i32
  }
  func.func @transform_14(%arg0: i32) -> (i32, i32) {
    %c0_i32 = arith.constant 0 : i32
    %c0_i32_0 = arith.constant 0 : i32
    %c0_i32_1 = arith.constant 0 : i32
    return %c0_i32, %c0_i32_0 : i32, i32
  }
  func.func @transform_15(%arg0: i32) -> (i32, i32) {
    %c0_i32 = arith.constant 0 : i32
    %c0_i32_0 = arith.constant 0 : i32
    %c0_i32_1 = arith.constant 0 : i32
    return %c0_i32, %c0_i32_0 : i32, i32
  }
  func.func @transform_16(%arg0: i32) -> (i32, i32) {
    %c0_i32 = arith.constant 0 : i32
    %c0_i32_0 = arith.constant 0 : i32
    %c0_i32_1 = arith.constant 0 : i32
    return %c0_i32, %c0_i32_0 : i32, i32
  }
}

module attributes {stable_mosaic.version = 14 : i64} {
  func.func @_stream_body(%arg0: i32, %arg1: memref<64x6144xf32, #tpu.memory_space<vmem>>, %arg2: memref<64x6144xf32, #tpu.memory_space<vmem>>, %arg3: memref<64x6144xf32, #tpu.memory_space<vmem>>, %arg4: memref<1x6144xf32, #tpu.memory_space<vmem>>, %arg5: memref<1x64xf32, #tpu.memory_space<vmem>>, %arg6: memref<1x1xf32, #tpu.memory_space<vmem>>, %arg7: memref<1x64xf32, #tpu.memory_space<vmem>>, %arg8: memref<32x64xf32, #tpu.memory_space<vmem>>, %arg9: memref<32x1xf32, #tpu.memory_space<vmem>>, %arg10: memref<1x32xf32, #tpu.memory_space<vmem>>, %arg11: memref<1x1xf32, #tpu.memory_space<vmem>>, %arg12: memref<1x1x6144xf32, #tpu.memory_space<vmem>>, %arg13: memref<1x1x6144xf32, #tpu.memory_space<vmem>>, %arg14: memref<1x1x6144xf32, #tpu.memory_space<vmem>>) attributes {dimension_semantics = [#tpu.dimension_semantics<arbitrary>], iteration_bounds = array<i64: 10>, scalar_prefetch = 0 : i64, scratch_operands = 0 : i64, tpu.core_type = #tpu.core_type<tc>, window_params = [{transform_indices = @transform_0, window_bounds = array<i64: 64, 6144>}, {transform_indices = @transform_1, window_bounds = array<i64: 64, 6144>}, {transform_indices = @transform_2, window_bounds = array<i64: 64, 6144>}, {transform_indices = @transform_3, window_bounds = array<i64: 1, 6144>}, {pipeline_mode = #tpu.pipeline_mode<synchronous>, transform_indices = @transform_4, window_bounds = array<i64: 1, 64>}, {pipeline_mode = #tpu.pipeline_mode<synchronous>, transform_indices = @transform_5, window_bounds = array<i64: 1, 1>}, {pipeline_mode = #tpu.pipeline_mode<synchronous>, transform_indices = @transform_6, window_bounds = array<i64: 1, 64>}, {pipeline_mode = #tpu.pipeline_mode<synchronous>, transform_indices = @transform_7, window_bounds = array<i64: 32, 64>}, {pipeline_mode = #tpu.pipeline_mode<synchronous>, transform_indices = @transform_8, window_bounds = array<i64: 32, 1>}, {pipeline_mode = #tpu.pipeline_mode<synchronous>, transform_indices = @transform_9, window_bounds = array<i64: 1, 32>}, {pipeline_mode = #tpu.pipeline_mode<synchronous>, transform_indices = @transform_10, window_bounds = array<i64: 1, 1>}, {transform_indices = @transform_11, window_bounds = array<i64: 1, 1, 6144>}, {transform_indices = @transform_12, window_bounds = array<i64: 1, 1, 6144>}, {transform_indices = @transform_13, window_bounds = array<i64: 1, 1, 6144>}]} {
    %get3A = arith.constant 0 : index
    %get3A_0 = arith.constant 0 : index
    %get3A_1 = vector.load %arg5[%get3A, %get3A_0] : memref<1x64xf32, #tpu.memory_space<vmem>>, vector<1x64xf32>
    %get3A_2 = arith.constant 0 : index
    %get3A_3 = arith.constant 0 : index
    %get3A_4 = vector.load %arg1[%get3A_2, %get3A_3] : memref<64x6144xf32, #tpu.memory_space<vmem>>, vector<64x6144xf32>
    %dot_general3A = arith.constant dense<0.000000e+00> : vector<1x6144xf32>
    %dot_general3A_5 = tpu.matmul %get3A_1, %get3A_4, %dot_general3A {dimension_numbers = #tpu.dot_dimension_numbers<[1], [0], [0], [1], [0, 0, 1, 1], [], []>, transpose_lhs_hint = false} : vector<1x64xf32>, vector<64x6144xf32>, vector<1x6144xf32> -> vector<1x6144xf32>
    %get3A_6 = arith.constant 0 : index
    %get3A_7 = arith.constant 0 : index
    %get3A_8 = vector.load %arg6[%get3A_6, %get3A_7] : memref<1x1xf32, #tpu.memory_space<vmem>>, vector<1x1xf32>
    %get3A_9 = vector.extract %get3A_8[0, 0] : f32 from vector<1x1xf32>
    %add3A = vector.broadcast %get3A_9 : f32 to vector<1x6144xf32>
    %add3A_10 = arith.addf %dot_general3A_5, %add3A : vector<1x6144xf32>
    %get3A_11 = arith.constant 0 : index
    %get3A_12 = arith.constant 0 : index
    %get3A_13 = vector.load %arg7[%get3A_11, %get3A_12] : memref<1x64xf32, #tpu.memory_space<vmem>>, vector<1x64xf32>
    %get3A_14 = arith.constant 0 : index
    %get3A_15 = arith.constant 0 : index
    %get3A_16 = vector.load %arg2[%get3A_14, %get3A_15] : memref<64x6144xf32, #tpu.memory_space<vmem>>, vector<64x6144xf32>
    %dot_general3A_17 = arith.constant dense<0.000000e+00> : vector<1x6144xf32>
    %dot_general3A_18 = tpu.matmul %get3A_13, %get3A_16, %dot_general3A_17 {dimension_numbers = #tpu.dot_dimension_numbers<[1], [0], [0], [1], [0, 0, 1, 1], [], []>, transpose_lhs_hint = false} : vector<1x64xf32>, vector<64x6144xf32>, vector<1x6144xf32> -> vector<1x6144xf32>
    %get3A_19 = arith.constant 0 : index
    %get3A_20 = arith.constant 0 : index
    %get3A_21 = vector.load %arg8[%get3A_19, %get3A_20] : memref<32x64xf32, #tpu.memory_space<vmem>>, vector<32x64xf32>
    %get3A_22 = arith.constant 0 : index
    %get3A_23 = arith.constant 0 : index
    %get3A_24 = vector.load %arg3[%get3A_22, %get3A_23] : memref<64x6144xf32, #tpu.memory_space<vmem>>, vector<64x6144xf32>
    %dot_general3A_25 = arith.constant dense<0.000000e+00> : vector<32x6144xf32>
    %dot_general3A_26 = tpu.matmul %get3A_21, %get3A_24, %dot_general3A_25 {dimension_numbers = #tpu.dot_dimension_numbers<[1], [0], [0], [1], [0, 0, 1, 1], [], []>, transpose_lhs_hint = false} : vector<32x64xf32>, vector<64x6144xf32>, vector<32x6144xf32> -> vector<32x6144xf32>
    %get3A_27 = arith.constant 0 : index
    %get3A_28 = arith.constant 0 : index
    %get3A_29 = vector.load %arg9[%get3A_27, %get3A_28] : memref<32x1xf32, #tpu.memory_space<vmem>>, vector<32x1xf32>
    %add3A_30 = vector.broadcast %get3A_29 : vector<32x1xf32> to vector<32x6144xf32>
    %add3A_31 = arith.addf %dot_general3A_26, %add3A_30 : vector<32x6144xf32>
    %ge3A = arith.constant 0.000000e+00 : f32
    %ge3A_32 = vector.broadcast %ge3A : f32 to vector<32x6144xf32>
    %ge3A_33 = arith.cmpf oge, %add3A_31, %ge3A_32 : vector<32x6144xf32>
    %mul3A = arith.constant 0.00999999977 : f32
    %mul3A_34 = vector.broadcast %mul3A : f32 to vector<32x6144xf32>
    %mul3A_35 = arith.mulf %mul3A_34, %add3A_31 : vector<32x6144xf32>
    %select_n3A = arith.select %ge3A_33, %add3A_31, %mul3A_35 : vector<32x6144xi1>, vector<32x6144xf32>
    %get3A_36 = arith.constant 0 : index
    %get3A_37 = arith.constant 0 : index
    %get3A_38 = vector.load %arg10[%get3A_36, %get3A_37] : memref<1x32xf32, #tpu.memory_space<vmem>>, vector<1x32xf32>
    %dot_general3A_39 = arith.constant dense<0.000000e+00> : vector<1x6144xf32>
    %dot_general3A_40 = tpu.matmul %get3A_38, %select_n3A, %dot_general3A_39 {dimension_numbers = #tpu.dot_dimension_numbers<[1], [0], [0], [1], [0, 0, 1, 1], [], []>, transpose_lhs_hint = false} : vector<1x32xf32>, vector<32x6144xf32>, vector<1x6144xf32> -> vector<1x6144xf32>
    %get3A_41 = arith.constant 0 : index
    %get3A_42 = arith.constant 0 : index
    %get3A_43 = vector.load %arg11[%get3A_41, %get3A_42] : memref<1x1xf32, #tpu.memory_space<vmem>>, vector<1x1xf32>
    %get3A_44 = vector.extract %get3A_43[0, 0] : f32 from vector<1x1xf32>
    %add3A_45 = vector.broadcast %get3A_44 : f32 to vector<1x6144xf32>
    %add3A_46 = arith.addf %dot_general3A_40, %add3A_45 : vector<1x6144xf32>
    %get3A_47 = arith.constant 0 : index
    %get3A_48 = arith.constant 0 : index
    %get3A_49 = vector.load %arg4[%get3A_47, %get3A_48] : memref<1x6144xf32, #tpu.memory_space<vmem>>, vector<1x6144xf32>
    %squeeze3A = vector.shape_cast %add3A_10 : vector<1x6144xf32> to vector<6144xf32>
    %swap3A = arith.constant 0 : index
    %swap3A_50 = arith.constant 0 : index
    %swap3A_51 = arith.constant 0 : index
    %swap3A_52 = vector.load %arg12[%swap3A, %swap3A_50, %swap3A_51] : memref<1x1x6144xf32, #tpu.memory_space<vmem>>, vector<1x1x6144xf32>
    %swap3A_53 = vector.shape_cast %swap3A_52 : vector<1x1x6144xf32> to vector<6144xf32>
    %swap3A_54 = vector.shape_cast %squeeze3A : vector<6144xf32> to vector<1x1x6144xf32>
    tpu.vector_store %arg12[%swap3A, %swap3A_50, %swap3A_51], %swap3A_54 {strides = array<i32>} : memref<1x1x6144xf32, #tpu.memory_space<vmem>>, vector<1x1x6144xf32>,
    %sub3A = arith.subf %dot_general3A_18, %add3A_10 : vector<1x6144xf32>
    %mul3A_55 = arith.mulf %get3A_49, %sub3A : vector<1x6144xf32>
    %squeeze3A_56 = vector.shape_cast %mul3A_55 : vector<1x6144xf32> to vector<6144xf32>
    %swap3A_57 = arith.constant 0 : index
    %swap3A_58 = arith.constant 0 : index
    %swap3A_59 = arith.constant 0 : index
    %swap3A_60 = vector.load %arg13[%swap3A_57, %swap3A_58, %swap3A_59] : memref<1x1x6144xf32, #tpu.memory_space<vmem>>, vector<1x1x6144xf32>
    %swap3A_61 = vector.shape_cast %swap3A_60 : vector<1x1x6144xf32> to vector<6144xf32>
    %swap3A_62 = vector.shape_cast %squeeze3A_56 : vector<6144xf32> to vector<1x1x6144xf32>
    tpu.vector_store %arg13[%swap3A_57, %swap3A_58, %swap3A_59], %swap3A_62 {strides = array<i32>} : memref<1x1x6144xf32, #tpu.memory_space<vmem>>, vector<1x1x6144xf32>,
    %mul3A_63 = arith.mulf %get3A_49, %add3A_46 : vector<1x6144xf32>
    %squeeze3A_64 = vector.shape_cast %mul3A_63 : vector<1x6144xf32> to vector<6144xf32>
    %swap3A_65 = arith.constant 0 : index
    %swap3A_66 = arith.constant 0 : index
    %swap3A_67 = arith.constant 0 : index
    %swap3A_68 = vector.load %arg14[%swap3A_65, %swap3A_66, %swap3A_67] : memref<1x1x6144xf32, #tpu.memory_space<vmem>>, vector<1x1x6144xf32>
    %swap3A_69 = vector.shape_cast %swap3A_68 : vector<1x1x6144xf32> to vector<6144xf32>
    %swap3A_70 = vector.shape_cast %squeeze3A_64 : vector<6144xf32> to vector<1x1x6144xf32>
    tpu.vector_store %arg14[%swap3A_65, %swap3A_66, %swap3A_67], %swap3A_70 {strides = array<i32>} : memref<1x1x6144xf32, #tpu.memory_space<vmem>>, vector<1x1x6144xf32>,
    return
  }
  func.func @transform_0(%arg0: i32) -> (i32, i32) {
    %c0_i32 = arith.constant 0 : i32
    %c0_i32_0 = arith.constant 0 : i32
    return %c0_i32, %arg0 : i32, i32
  }
  func.func @transform_1(%arg0: i32) -> (i32, i32) {
    %c0_i32 = arith.constant 0 : i32
    %c0_i32_0 = arith.constant 0 : i32
    return %c0_i32, %arg0 : i32, i32
  }
  func.func @transform_2(%arg0: i32) -> (i32, i32) {
    %c0_i32 = arith.constant 0 : i32
    %c0_i32_0 = arith.constant 0 : i32
    return %c0_i32, %arg0 : i32, i32
  }
  func.func @transform_3(%arg0: i32) -> (i32, i32) {
    %c0_i32 = arith.constant 0 : i32
    %c0_i32_0 = arith.constant 0 : i32
    return %c0_i32, %arg0 : i32, i32
  }
  func.func @transform_4(%arg0: i32) -> (i32, i32) {
    %c0_i32 = arith.constant 0 : i32
    %c0_i32_0 = arith.constant 0 : i32
    %c0_i32_1 = arith.constant 0 : i32
    return %c0_i32, %c0_i32_0 : i32, i32
  }
  func.func @transform_5(%arg0: i32) -> (i32, i32) {
    %c0_i32 = arith.constant 0 : i32
    %c0_i32_0 = arith.constant 0 : i32
    %c0_i32_1 = arith.constant 0 : i32
    return %c0_i32, %c0_i32_0 : i32, i32
  }
  func.func @transform_6(%arg0: i32) -> (i32, i32) {
    %c0_i32 = arith.constant 0 : i32
    %c0_i32_0 = arith.constant 0 : i32
    %c0_i32_1 = arith.constant 0 : i32
    return %c0_i32, %c0_i32_0 : i32, i32
  }
  func.func @transform_7(%arg0: i32) -> (i32, i32) {
    %c0_i32 = arith.constant 0 : i32
    %c0_i32_0 = arith.constant 0 : i32
    %c0_i32_1 = arith.constant 0 : i32
    return %c0_i32, %c0_i32_0 : i32, i32
  }
  func.func @transform_8(%arg0: i32) -> (i32, i32) {
    %c0_i32 = arith.constant 0 : i32
    %c0_i32_0 = arith.constant 0 : i32
    %c0_i32_1 = arith.constant 0 : i32
    return %c0_i32, %c0_i32_0 : i32, i32
  }
  func.func @transform_9(%arg0: i32) -> (i32, i32) {
    %c0_i32 = arith.constant 0 : i32
    %c0_i32_0 = arith.constant 0 : i32
    %c0_i32_1 = arith.constant 0 : i32
    return %c0_i32, %c0_i32_0 : i32, i32
  }
  func.func @transform_10(%arg0: i32) -> (i32, i32) {
    %c0_i32 = arith.constant 0 : i32
    %c0_i32_0 = arith.constant 0 : i32
    %c0_i32_1 = arith.constant 0 : i32
    return %c0_i32, %c0_i32_0 : i32, i32
  }
  func.func @transform_11(%arg0: i32) -> (i32, i32, i32) {
    %c0_i32 = arith.constant 0 : i32
    %c0_i32_0 = arith.constant 0 : i32
    %c0_i32_1 = arith.constant 0 : i32
    return %c0_i32, %c0_i32_0, %arg0 : i32, i32, i32
  }
  func.func @transform_12(%arg0: i32) -> (i32, i32, i32) {
    %c0_i32 = arith.constant 0 : i32
    %c0_i32_0 = arith.constant 0 : i32
    %c0_i32_1 = arith.constant 0 : i32
    return %c0_i32, %c0_i32_0, %arg0 : i32, i32, i32
  }
  func.func @transform_13(%arg0: i32) -> (i32, i32, i32) {
    %c0_i32 = arith.constant 0 : i32
    %c0_i32_0 = arith.constant 0 : i32
    %c0_i32_1 = arith.constant 0 : i32
    return %c0_i32, %c0_i32_0, %arg0 : i32, i32, i32
  }
}

</mosaic_0001>

<sc_bundles>
// kernel: kernel.5.cloned.1.call-start
scs
__scs_entry_jumppad:
0x0: {  	(pc) =	sbr.rel $0x88, $3  }
0x1: {  	(tag) =	ssettag $0x0;
	lr =	simm.s32 $0x1  }
0x2: {  	[smem:$0x3F8E] =	sst lr;
	_ =	strace $0xD0000000  }
0x3: {  	_ = 	snop  }
0x4: {  	_ = 	snop  }
0x5: {  	_ = 	snop  }
0x6: {  	_ = 	snop  }
0x7: {  	_ = 	snop  }
__scs_overlays_trampoline_lowered:
0x8: {  	[smem:$0x3F9D] =	sst s0  }
0x9: {  	[smem:$0x3F9E] =	sst s1  }
0xa: {  	[smem:$0x3F9F] =	sst s2  }
0xb: {  	[smem:$0x3FA0] =	sst s3  }
0xc: {  	[smem:$0x3FA1] =	sst s4  }
0xd: {  	[smem:$0x3FA2] =	sst s5  }
0xe: {  	[smem:$0x3FA3] =	sst s6  }
0xf: {  	[smem:$0x3FA4] =	sst s7  }
0x10: {  	[smem:$0x3FA5] =	sst s8  }
0x11: {  	[smem:$0x3FA6] =	sst s9;
	s0 =	simm.s32 @!p0 $0x0  }
0x12: {  	s1 =	sld [smem:$0x3F8C];
	s0 =	simm.s32 @p0 $0x1  }
0x13: {  	[smem:$0x3FA7] =	sst s0;
	s0 =	simm.s32 @!p1 $0x0  }
0x14: {  	s2 =	sld [smem:$0x3F8B];
	s0 =	simm.s32 @p1 $0x1  }
0x15: {  	[smem:$0x3FA8] =	sst s0;
	s0 =	simm.s32 @!p2 $0x0  }
0x16: {  	s3 =	sld [smem:$0x3FDB];
	s0 =	simm.s32 @p2 $0x1  }
0x17: {  	s4 =	simm.s32 $0x1BF5;
	[smem:$0x3FAA] =	sst s0  }
0x18: {  	s0 =	sld [smem:$0x3F8D];
	_ =	swait.ge [sflag:s4], $0x0  }
0x19: {  	s7 =	sld [smem:$0x3F8E]  }
0x1a: {  	s8 =	sadd.s32 $0xFFFFE003, lr  }
0x1b: {  	s9 =	sadd.s32 $0xFFFFFEF7, lr;
	s5 =	simm.s32 $0xFFFFFFFF;
	p2 =	slt.u32 s8, $0xFFFFF086  }
0x1c: {  	p1 =	slt.u32 s9, $0xF7A;
	s5 =	simm.s32 @!p2 $0x0  }
0x1d: {  	s5 =	simm.s32 @p1 $0x1;
	p0 =	seq.s32 s7, s2  }
0x1e: {  	s7 =	smul.u32 @!p0 $0xF7A, s2;
	p2 =	seq.s32 @!p0 s5, $0x0  }
0x1f: {  	s9 =	smul.u32 $0xF7A, s1;
	s8 =	simm.s32 @!p0 $0x1BF5;
	p2 =	por !p2, p0  }
0x20: {  	[sflag:s8] =	ssyncset.s32 @!p0 $0xFFFFF086;
	s6 =	sadd.s32 @!p0 s3, s7;
	s7 =	simm.s32 @!p0 $0x108  }
0x21: {  	s3 =	sadd.s32 s3, s9;
	s6 =	sadd.s32 @!p0 $0x88, s6;
	s7 =	simm.s32 @p2 $0x1082  }
0x22: {  	[simem:s7], [sflag:s8] =	dma.local @!p0 [hbm:s6], $0xF7A  }
0x23: {  	s9 =	sor.u32 $0xD0000000, s2;
	s6 =	simm.s32 $0x108;
	_ =	swait.ge @!p0 [sflag:s8], $0x0  }
0x24: {  	s3 =	sadd.s32 $0x88, s3;
	s6 =	simm.s32 @!p1 $0x1082;
	[sflag:s4] =	ssyncset.s32 $0xFFFFF086  }
0x25: {  	[simem:s6], [sflag:s4] =	dma.local [hbm:s3], $0xF7A  }
0x26: {  	[smem:$0x3F8E] =	sst s1;
	(tag) =	ssettag s2;
	_ =	strace s9  }
0x27: {  	s1 =	sld [smem:$0x3F9E]  }
0x28: {  	s2 =	sld [smem:$0x3F9F]  }
0x29: {  	s4 =	sld [smem:$0x3FA1]  }
0x2a: {  	p0 =	seq.s32 s5, $0x0;
	s5 =	sld [smem:$0x3FA2]  }
0x2b: {  	s6 =	sld [smem:$0x3FA3]  }
0x2c: {  	s7 =	sld [smem:$0x3FA4]  }
0x2d: {  	s3 =	simm.s32 $0x108;
	s8 =	sld [smem:$0x3FA5]  }
0x2e: {  	s3 =	simm.s32 @!p0 $0x1082;
	s9 =	sld [smem:$0x3FA6]  }
0x2f: {  	lr =	sadd.s32 s0, s3;
	s0 =	sld [smem:$0x3F9D]  }
0x30: {  	s3 =	sld [smem:$0x3FA0]  }
0x31: {  	[smem:$0x3FA9] =	sst s10  }
0x32: {  	s10 =	sld [smem:$0x3FA7];
	_ =	sdelay $0x3  }
0x33: {  	p0 =	seq.s32 s10, $0x1;
	s10 =	sld [smem:$0x3FA9];
	_ =	sdelay $0x3  }
0x34: {  	[smem:$0x3FA9] =	sst s10  }
0x35: {  	s10 =	sld [smem:$0x3FA8];
	_ =	sdelay $0x3  }
0x36: {  	p1 =	seq.s32 s10, $0x1;
	s10 =	sld [smem:$0x3FA9];
	_ =	sdelay $0x3  }
0x37: {  	[smem:$0x3FA9] =	sst s10  }
0x38: {  	s10 =	sld [smem:$0x3FAA]  }
0x39: {  	_ = 	snop;
	(pc) =	sbr.ind lr, $3  }
0x3a: {  	_ = 	snop  }
0x3b: {  	_ = 	snop  }
0x3c: {  	p2 =	seq.s32 s10, $0x1;
	s10 =	sld [smem:$0x3FA9]  }
0x3d: {  	_ =	shalt  }
0x3e: {  	_ =	shalt  }
0x3f: {  	_ =	shalt  }
0x40: {  	_ =	shalt  }
0x41: {  	_ =	shalt  }
0x42: {  	_ =	shalt  }
0x43: {  	_ =	shalt  }
0x44: {  	_ =	shalt  }
0x45: {  	_ =	shalt  }
0x46: {  	_ =	shalt  }
0x47: {  	_ =	shalt  }
0x48: {  	_ =	shalt  }
0x49: {  	_ =	shalt  }
0x4a: {  	_ =	shalt  }
0x4b: {  	_ =	shalt  }
0x4c: {  	_ =	shalt  }
0x4d: {  	_ =	shalt  }
0x4e: {  	_ =	shalt  }
0x4f: {  	_ =	shalt  }
0x50: {  	_ =	shalt  }
0x51: {  	_ =	shalt  }
0x52: {  	_ =	shalt  }
0x53: {  	_ =	shalt  }
0x54: {  	_ =	shalt  }
0x55: {  	_ =	shalt  }
0x56: {  	_ =	shalt  }
0x57: {  	_ =	shalt  }
0x58: {  	_ =	shalt  }
0x59: {  	_ =	shalt  }
0x5a: {  	_ =	shalt  }
0x5b: {  	_ =	shalt  }
0x5c: {  	_ =	shalt  }
0x5d: {  	_ =	shalt  }
0x5e: {  	_ =	shalt  }
0x5f: {  	_ =	shalt  }
0x60: {  	_ =	shalt  }
0x61: {  	_ =	shalt  }
0x62: {  	_ =	shalt  }
0x63: {  	_ =	shalt  }
0x64: {  	_ =	shalt  }
0x65: {  	_ =	shalt  }
0x66: {  	_ =	shalt  }
0x67: {  	_ =	shalt  }
0x68: {  	_ =	shalt  }
0x69: {  	_ =	shalt  }
0x6a: {  	_ =	shalt  }
0x6b: {  	_ =	shalt  }
0x6c: {  	_ =	shalt  }
0x6d: {  	_ =	shalt  }
0x6e: {  	_ =	shalt  }
0x6f: {  	_ =	shalt  }
0x70: {  	_ =	shalt  }
0x71: {  	_ =	shalt  }
0x72: {  	_ =	shalt  }
0x73: {  	_ =	shalt  }
0x74: {  	_ =	shalt  }
0x75: {  	_ =	shalt  }
0x76: {  	_ =	shalt  }
0x77: {  	_ =	shalt  }
0x78: {  	_ =	shalt  }
0x79: {  	_ =	shalt  }
0x7a: {  	_ =	shalt  }
0x7b: {  	_ =	shalt  }
0x7c: {  	_ =	shalt  }
0x7d: {  	_ =	shalt  }
0x7e: {  	_ =	shalt  }
0x7f: {  	_ =	shalt  }
0x80: {  	_ =	shalt  }
0x81: {  	_ =	shalt  }
0x82: {  	_ =	shalt  }
0x83: {  	_ =	shalt  }
0x84: {  	_ =	shalt  }
0x85: {  	_ =	shalt  }
0x86: {  	_ =	shalt  }
0x87: {  	_ =	shalt  }
.Lfunc_end0:
.L_simem_size_0:
called_computation_lowered:
.L_overlay_start_0:
0x88: {  	s2 =	sld [smem:$0x3FD9]  }
0x89: {  	s3 =	sld [smem:$0x3FFE];
	_ =	sdelay $0x1  }
0x8a: {  	s1 =	srdreg.scid  }
0x8b: {  	s0 =	sand.u32 $0x1, s1  }
0x8c: {  	s17 =	sshll.u32 s0, $0xA;
	s2 =	sadd.s32 s3, s2  }
0x8d: {  	s2 =	sadd.s32 s2, s17  }
0x8e: {  	[smem:$0x3FB5] =	sst s2  }
0x8f: {  	_ = 	snop  }
0x90: {  	s2 =	sld [smem:$0x3FD0];
	(tm) =	ssettm $0x1  }
0x91: {  	s18 =	sld [smem:$0x3FFB];
	_ =	sdelay $0x3  }
0x92: {  	_ =	strace s18  }
0x93: {  	s3 =	sld [smem:$0x3FFC];
	_ =	sdelay $0x3  }
0x94: {  	_ =	strace s3  }
0x95: {  	s3 =	sld [smem:$0x3FFD];
	_ =	sdelay $0x3  }
0x96: {  	_ =	strace s3  }
0x97: {  	_ =	strace $0x8FFFFFFF  }
0x98: {  	s19 =	sld [smem:$0x3FDB];
	_ =	sdelay $0x1  }
0x99: {  	s4 =	simm.s32 $_scs_section_size  }
0x9a: {  	s5 =	simm.s32 $_size__tile_overlayer_lowered;
	s6 =	simm.s32 $_tile_overlayer_lowered  }
0x9b: {  	s22 =	simm.s32 $0x1BFF;
	s21 =	sshll.u32 s6, $0x1;
	s3 =	sadd.s32 s4, s19  }
0x9c: {  	s7 =	simm.s32 $0x0;
	s20 =	sshll.u32 s5, $0x1;
	s5 =	sadd.s32 s21, s3  }
0x9d: {  	[timem:s7], [sflag:s22] =	dma.local [hbm:s5], s20  }
0x9e: {  	_ =	swait.ge [sflag:s22], s20  }
0x9f: {  	s4 =	ssub.s32 $0x0, s20;
	[sflag:s22] =	ssyncset.done $0x0  }
0xa0: {  	[sflag:s22] =	ssyncadd.s32 s4;
	_ =	sdelay $0x1  }
0xa1: {  	s23 =	simm.s32 $0x1B8B  }
0xa2: {  	_ =	swait.ge [sflag:s23], $0x1  }
0xa3: {  	[sflag:s23] =	ssyncset.done $0x0  }
0xa4: {  	s25 =	simm.s32 $0x1B8E;
	s24 =	sld [smem:$0x3FFE];
	[sflag:s23] =	ssyncadd.s32 $0xFFFFFFFF  }
0xa5: {  	s26 =	simm.s32 $execute0_lowered;
	[smem:$0x3FD2] =	sst s25  }
0xa6: {  	s5 =	sshll.u32 s26, $0x1;
	_ =	strace $0x80000046;
	[dreg:$0x1] =	wrdreg $0xFFFFFFFF  }
0xa7: {  	s28 =	simm.s32 $_size_execute0_lowered;
	s3 =	sadd.s32 s3, s5;
	[dreg:$0x0] =	wrdreg $0x0  }
0xa8: {  	s5 =	sshll.u32 s28, $0x1;
	[dreg:$0x2] =	wrdreg s3  }
0xa9: {  	[dreg:$0x3] =	wrdreg s5  }
0xaa: {  	[dreg:$0x4] =	wrdreg $0xC0  }
0xab: {  	_ =	task [dreg:s7], $0x5FFFF  }
0xac: {  	[dreg:$0x1] =	wrdreg $0xFFFFFFFF  }
0xad: {  	[dreg:$0x0] =	wrdreg $0x60  }
0xae: {  	[dreg:$0x2] =	wrdreg s2  }
0xaf: {  	[dreg:$0x3] =	wrdreg s24  }
0xb0: {  	[dreg:$0x4] =	wrdreg $0x9  }
0xb1: {  	_ =	task.clear_ibuf [dreg:s7], $0x5FFFF;
	_ =	strace $0x90000046  }
0xb2: {  	s29 =	simm.s32 $0x9;
	_ =	strace $0x80000048  }
0xb3: {  	_ =	swait.ge [sflag:s29], $0x1  }
0xb4: {  	[sflag:s29] =	ssyncadd.s32 $0xFFFFFFFF  }
0xb5: {  	_ =	strace $0x90000048  }
0xb6: {  	_ =	sfence  }
0xb7: {  	s30 =	sld [smem:$0x0];
	_ =	sdelay $0x2  }
0xb8: {  	s31 =	sshll.u32 s1, $0xD;
	s1 =	sshrl.u32 s1, $0x2  }
0xb9: {  	s3 =	sand.u32 $0x4000, s31;
	s1 =	sadd.s32 s1, s30  }
0xba: {  	s0 =	sor.u32 s3, s0;
	s1 =	sshll.u32 s1, $0x11  }
0xbb: {  	s0 =	sor.u32 s1, s0  }
0xbc: {  	s0 =	sadd.s32 $0x8F2B, s0  }
0xbd: {  	[sflag:s0] =	ssyncadd.remote.s32 $0x1  }
0xbe: {  	_ =	sfence.sel $0xFFFF  }
0xbf: {  	[dreg:$0x0] =	wrdreg $0xFFFFFFFF;
	(pc) =	sbr.abs _section_cstart, $3  }
0xc0: {  	[dreg:$0x1] =	wrdreg $0xFFFFFFFF  }
0xc1: {  	_ =	task.clear_ibuf [dreg:s7], $0x2FFFF;
	_ =	strace $0x9FFFFFFF  }
0xc2: {  	(tm) =	ssettm $0x7FFFFFFF  }
0xc3: {  	_ =	shalt  }
tec
execute0_lowered:
.L_overlay_start_1:
0x0: {  	(tag) =	ssettag $0x1  }
0x1: {  	s10 =	rddreg [dreg:$0x0];
	s0 =	srdreg.scid  }
0x2: {  	s9 =	rddreg [dreg:$0x1];
	s1 =	stileid.u32;
	s2 =	simm.s32 $0x0  }
0x3: {  	s17 =	simm.s32 $0x20;
	s18 =	simm.s32 $0x30;
	s20 =	simm.s32 $0x2  }
0x4: {  	s21 =	simm.s32 $0x0;
	s11 =	sand.u32 $0x1, s0;
	s0 =	rddreg [dreg:$0x2]  }
0x5: {  	s4 =	sshrl.u32 s1, $0x2;
	s12 =	sand.u32 $0x3, s1;
	[smem:$0x7FF] =	sst s2  }
0x6: {  	s6 =	sadd.s32 $0x2C00, s9;
	s7 =	sadd.s32 $0x2200, s9;
	s8 =	sadd.s32 $0x3400, s9  }
0x7: {  	s3 =	sshll.u32 s11, $0x2;
	s5 =	sshll.u32 s12, $0x1;
	s14 =	smul.u32 $0x3C00, s12  }
0x8: {  	_ =	strace $0x80000047;
	s11 =	ssub.s32 $0x2, s11;
	s12 =	smul.u32 $0x780, s12  }
0x9: {  	s16 =	sor.u32 s4, s3;
	s3 =	sadd.s32 $0x3600, s9;
	s15 =	sshrl.u32 s11, $0x1  }
0xa: {  	s4 =	sshll.u32 s16, $0x4;
	s19 =	smul.u32 $0xF000, s16;
	s15 =	ssub.s32 s11, s15  }
0xb: {  	s10 =	sadd.s32 s10, s12;
	v0 =	vmov s16;
	s16 =	simm.s32 $0x10;
	s5 =	sor.u32 s5, s4  }
0xc: {  	s4 =	sadd.s32 $0x5400, s9;
	s13 =	sadd.s32 s5, s9;
	s5 =	sadd.s32 $0x2400, s9  }
0xd: {  	s14 =	sadd.s32 s14, s19;
	s9 =	sadd.s32 $0x7200, s9;
	v1 =	vmov s19;
	s19 =	simm.s32 $0x40  }
0xe: {  	s31 =	sshrl.u32 s14, $0x3;
	s12 =	sadd.s32 $0x1E08, s13;
	s13 =	sadd.s32 $0x1E00, s13  }
0xf: {  	vm0 =	vmmov $0xffff;
	v2 =	vimm.s32 $0x8;
	s14 =	smax.u32 s15, $0x1;
	s15 =	simm.s32 $0x1;
	s11 =	sadd.s32 s9, s31  }
.LBB2_1:
0x10: {  	_ =	sdelay $0x3  }
0x11: {  	[tilespmem:s2], [sflag:$0x1] =	stream.indirect_vreg.gather [hbm4b:s8+s2], $0x1, v0, vm0, $0xb8;
	[tilespmem:$0x3C40] =	vst v63  }
0x12: {  	_ =	swait.ge [sflag:s15], $0x10  }
0x13: {  	[sflag:s15] =	ssyncset.done $0x0  }
0x14: {  	[sflag:s15] =	ssyncadd.s32 $0xFFFFFFF0  }
0x15: {  	v3 =	vld [tilespmem:$0x0];
	_ =	sdelay $0x7  }
0x16: {  	[tilespmem:s16], [sflag:$0x1] =	stream.indirect_vreg.gather [hbm4b:s6+s2], $0x1, v3, vm0, $0xb8;
	[tilespmem:$0x3C40] =	vst v63  }
0x17: {  	_ = 	snop  }
0x18: {  	[tilespmem:s17], [sflag:$0x1] =	stream.indirect_vreg.gather [hbm4b:s5+s2], $0x1, v3, vm0, $0xb8;
	[tilespmem:$0x3C40] =	vst v63  }
0x19: {  	_ = 	snop  }
0x1a: {  	[tilespmem:s18], [sflag:$0x1] =	stream.indirect_vreg.gather [hbm4b:s7+s2], $0x1, v0, vm0, $0xb8;
	[tilespmem:$0x3C40] =	vst v63  }
0x1b: {  	_ =	swait.ge [sflag:s15], $0x10  }
0x1c: {  	[sflag:s15] =	ssyncset.done $0x0  }
0x1d: {  	[sflag:s15] =	ssyncadd.s32 $0xFFFFFFF0  }
0x1e: {  	_ =	swait.ge [sflag:s15], $0x10  }
0x1f: {  	[sflag:s15] =	ssyncset.done $0x0  }
0x20: {  	[sflag:s15] =	ssyncadd.s32 $0xFFFFFFF0  }
0x21: {  	_ =	swait.ge [sflag:s15], $0x10  }
0x22: {  	[sflag:s15] =	ssyncset.done $0x0  }
0x23: {  	[sflag:s15] =	ssyncadd.s32 $0xFFFFFFF0  }
0x24: {  	v3 =	vld [tilespmem:$0x10]  }
0x25: {  	v4 =	vld [tilespmem:$0x30]  }
0x26: {  	v5 =	vld [tilespmem:$0x20];
	[tilespmem:s18], [sflag:$0x1] =	stream.indirect_vreg.gather [hbm4b:s7+s2], $0x1, v2, vm0, $0xb8  }
0x27: {  	_ =	swait.ge [sflag:s15], $0x10  }
0x28: {  	[sflag:s15] =	ssyncset.done $0x0  }
0x29: {  	[sflag:s15] =	ssyncadd.s32 $0xFFFFFFF0  }
0x2a: {  	v6 =	vld [tilespmem:$0x30];
	[tilespmem:s19], [sflag:$0x2] =	stream.linear.gather [hbm4b:s10+s2], $0x3C00, $0x38  }
0x2b: {  	_ =	swait.ge [sflag:s20], $0x3C00;
	v7 =	vsub.f32 $1.000000000e+00, v3  }
0x2c: {  	[sflag:s20] =	ssyncset.done $0x0  }
0x2d: {  	s22 =	simm.s32 $0x0;
	v3 =	vmul.f32 v5, v3;
	[sflag:s20] =	ssyncadd.s32 $0xFFFFC400;
	v4 =	vmul.f32 v4, v7  }
0x2e: {  	v7 =	vld [tilespmem:s22+$0x40]  }
0x2f: {  	v9 =	vld [tilespmem:s22+$0x50];
	v3 =	vadd.f32 v3, v4  }
0x30: {  	v8 =	vld [tilespmem:s22+$0x60]  }
0x31: {  	v4 =	vld [tilespmem:s22+$0x70];
	v3 =	vadd.f32 v6, v3  }
0x32: {  	v5 =	vld [tilespmem:s22+$0x80]  }
0x33: {  	v6 =	vld [tilespmem:s22+$0x90];
	v10 =	vadd.f32 v7, v3  }
0x34: {  	s23 =	simm.s32 $0x200;
	v9 =	vadd.f32 v9, v3;
	v7 =	vld [tilespmem:s22+$0xA0]  }
.LBB2_2:
0x35: {  	s24 =	sshra.s32 s23, $0x2;
	p0 =	sne.s32 s23, $0xEE00;
	[tilespmem:s22+$0x40] =	vst v10;
	v8 =	vadd.f32 v8, v3;
	v10 =	vld [tilespmem:s22+$0xB0]  }
0x36: {  	v11 =	vld [tilespmem:s24+$0x40];
	[tilespmem:s22+$0x50] =	vst v9;
	v4 =	vadd.f32 v4, v3  }
0x37: {  	v9 =	vld [tilespmem:s24+$0x50];
	[tilespmem:s22+$0x60] =	vst v8;
	v5 =	vadd.f32 v5, v3  }
.Ltmp0:
0x38: {  	v8 =	vld [tilespmem:s24+$0x60];
	[tilespmem:s22+$0x70] =	vst v4;
	v6 =	vadd.f32 v6, v3;
	(pc) =	sbr.rel @p0 .LBB2_2-.Ltmp0, $4  }
0x39: {  	v4 =	vld [tilespmem:s24+$0x70];
	[tilespmem:s22+$0x80] =	vst v5;
	v7 =	vadd.f32 v7, v3  }
0x3a: {  	v5 =	vld [tilespmem:s24+$0x80];
	[tilespmem:s22+$0x90] =	vst v6;
	v12 =	vadd.f32 v10, v3  }
0x3b: {  	v10 =	vadd.f32 v11, v3;
	v6 =	vld [tilespmem:s24+$0x90];
	[tilespmem:s22+$0xA0] =	vst v7  }
0x3c: {  	s23 =	sadd.s32 $0x200, s23;
	v9 =	vadd.f32 v9, v3;
	v7 =	vld [tilespmem:s24+$0xA0];
	[tilespmem:s22+$0xB0] =	vst v12;
	s22 =	smov.u32 s24  }
0x3d: {  	[tilespmem:s22+$0x40] =	vst v10;
	v8 =	vadd.f32 v8, v3;
	v57 =	vld [tilespmem:s22+$0xB0]  }
0x3e: {  	[tilespmem:s22+$0x50] =	vst v9;
	v4 =	vadd.f32 v4, v3  }
0x3f: {  	[tilespmem:s22+$0x60] =	vst v8;
	v5 =	vadd.f32 v5, v3  }
0x40: {  	[tilespmem:s22+$0x70] =	vst v4;
	v58 =	vadd.f32 v6, v3  }
0x41: {  	[tilespmem:s22+$0x80] =	vst v5;
	v59 =	vadd.f32 v7, v3  }
0x42: {  	[tilespmem:s22+$0x90] =	vst v58;
	v3 =	vadd.f32 v57, v3  }
0x43: {  	[tilespmem:s22+$0xA0] =	vst v59  }
0x44: {  	[tilespmem:s22+$0xB0] =	vst v3  }
0x45: {  	[hbm4b:s11+s2] =	stream.linear.scatter [tilespmem:s19], [sflag:$0x2], $0x3C00, $0x38;
	[tilespmem:$0x3C40] =	vst v63  }
0x46: {  	_ =	swait.ge [sflag:s20], $0x3C00  }
0x47: {  	[sflag:s20] =	ssyncset.done $0x0  }
0x48: {  	[sflag:s20] =	ssyncadd.s32 $0xFFFFC400  }
0x49: {  	[bflag:$0x0] =	sbarrier.arrive $0xFFFF  }
0x4a: {  	[tilespmem:s2], [sflag:$0x2] =	stream.linear.gather [hbm4b:s12+s2], $0x10, $0x38;
	[tilespmem:$0x3C40] =	vst v63  }
0x4b: {  	_ =	swait.ge [sflag:s20], $0x10  }
0x4c: {  	[sflag:s20] =	ssyncset.done $0x0  }
0x4d: {  	[sflag:s20] =	ssyncadd.s32 $0xFFFFFFF0  }
0x4e: {  	v3 =	vld [tilespmem:$0x0];
	_ =	sdelay $0x4  }
0x4f: {  	v60 =	vadd.s32 v1, v3;
	_ =	sdelay $0x4  }
0x50: {  	[tilespmem:s16], [sflag:$0x1] =	stream.indirect_vreg.gather [hbm4b:s9+s2], $0x1, v60, vm0, $0xb8;
	[tilespmem:$0x3C40] =	vst v63  }
0x51: {  	_ = 	snop  }
0x52: {  	[tilespmem:s17], [sflag:$0x1] =	stream.indirect_vreg.gather [hbm4b:s3+s2], $0x1, v3, vm0, $0xb8;
	[tilespmem:$0x3C40] =	vst v63  }
0x53: {  	_ =	swait.ge [sflag:s15], $0x10  }
0x54: {  	[sflag:s15] =	ssyncset.done $0x0  }
0x55: {  	[sflag:s15] =	ssyncadd.s32 $0xFFFFFFF0  }
0x56: {  	_ =	swait.ge [sflag:s15], $0x10  }
0x57: {  	[sflag:s15] =	ssyncset.done $0x0  }
0x58: {  	[sflag:s15] =	ssyncadd.s32 $0xFFFFFFF0  }
0x59: {  	[bflag:$0x0] =	sbarrier.arrive $0xFFFF  }
0x5a: {  	v3 =	vld [tilespmem:$0x10]  }
0x5b: {  	v61 =	vld [tilespmem:$0x20];
	_ =	sdelay $0x4  }
0x5c: {  	v3 =	vadd.f32 v61, v3;
	_ =	sdelay $0x1  }
0x5d: {  	[tilespmem:$0x30] =	vst v3  }
0x5e: {  	[hbm4b:s9+s2] =	stream.indirect_vreg.scatter [tilespmem:s18], [sflag:$0x1], $0x1, v60, vm0, $0xb8;
	[tilespmem:$0x3C40] =	vst v63  }
0x5f: {  	_ =	swait.ge [sflag:s15], $0x10  }
0x60: {  	[sflag:s15] =	ssyncset.done $0x0  }
0x61: {  	[sflag:s15] =	ssyncadd.s32 $0xFFFFFFF0  }
0x62: {  	[bflag:$0x0] =	sbarrier.arrive $0xFFFF  }
0x63: {  	[tilespmem:s2], [sflag:$0x2] =	stream.linear.gather [hbm4b:s13+s2], $0x10, $0x38;
	[tilespmem:$0x3C40] =	vst v63  }
0x64: {  	_ =	swait.ge [sflag:s20], $0x10  }
0x65: {  	[sflag:s20] =	ssyncset.done $0x0  }
0x66: {  	[sflag:s20] =	ssyncadd.s32 $0xFFFFFFF0  }
0x67: {  	v3 =	vld [tilespmem:$0x0];
	_ =	sdelay $0x4  }
0x68: {  	v62 =	vadd.s32 v1, v3;
	_ =	sdelay $0x4  }
0x69: {  	[tilespmem:s16], [sflag:$0x1] =	stream.indirect_vreg.gather [hbm4b:s9+s2], $0x1, v62, vm0, $0xb8;
	[tilespmem:$0x3C40] =	vst v63  }
0x6a: {  	_ = 	snop  }
0x6b: {  	[tilespmem:s17], [sflag:$0x1] =	stream.indirect_vreg.gather [hbm4b:s4+s2], $0x1, v3, vm0, $0xb8;
	[tilespmem:$0x3C40] =	vst v63  }
0x6c: {  	_ =	swait.ge [sflag:s15], $0x10  }
0x6d: {  	[sflag:s15] =	ssyncset.done $0x0  }
0x6e: {  	[sflag:s15] =	ssyncadd.s32 $0xFFFFFFF0  }
0x6f: {  	_ =	swait.ge [sflag:s15], $0x10  }
0x70: {  	[sflag:s15] =	ssyncset.done $0x0  }
0x71: {  	[sflag:s15] =	ssyncadd.s32 $0xFFFFFFF0  }
0x72: {  	[bflag:$0x0] =	sbarrier.arrive $0xFFFF  }
0x73: {  	v3 =	vld [tilespmem:$0x10]  }
0x74: {  	v63 =	vld [tilespmem:$0x20];
	_ =	sdelay $0x4  }
0x75: {  	s21 =	sadd.s32 $0x1, s21;
	v3 =	vadd.f32 v63, v3  }
0x76: {  	p0 =	sne.s32 s21, s14  }
.Ltmp1:
0x77: {  	[tilespmem:$0x30] =	vst v3;
	(pc) =	sbr.rel @p0 .LBB2_1-.Ltmp1, $4  }
0x78: {  	[hbm4b:s9+s2] =	stream.indirect_vreg.scatter [tilespmem:s18], [sflag:$0x1], $0x1, v62, vm0, $0xb8;
	[tilespmem:$0x3C40] =	vst v63  }
0x79: {  	_ =	swait.ge [sflag:s15], $0x10  }
0x7a: {  	[sflag:s15] =	ssyncset.done $0x0  }
0x7b: {  	[sflag:s15] =	ssyncadd.s32 $0xFFFFFFF0  }
0x7c: {  	_ =	sfence.sel $0x180000  }
0x7d: {  	[bflag:$0x0] =	sbarrier.arrive $0xFFFF  }
0x7e: {  	p0 =	sne.s32 s1, $0x0;
	_ =	strace $0x90000047  }
0x7f: {  	s0 =	sadd.s32 @!p0 $0x100000, s0;
	[bflag:$0x2] =	sbarrier.arrive $0xFFFF  }
0x80: {  	[sflag:s0] =	ssyncadd.tile.s32 @!p0 $0x1;
	_ =	shalt  }
.Lfunc_end2:
_tile_overlayer_lowered:
.L_overlay_start_2:
0x81: {  	(tag) =	ssettag $0x2  }
0x82: {  	s0 =	rddreg [dreg:$0x0];
	s2 =	stileid.u32  }
0x83: {  	s1 =	rddreg [dreg:$0x1];
	p0 =	sne.s32 s2, $0x0  }
0x84: {  	s3 =	rddreg [dreg:$0x2];
	[bflag:$0x3] =	sbarrier.arrive $0xFFFF;
	s2 =	simm.s32 @!p0 $0x1C02  }
0x85: {  	[timem:s3], [sflag:s2] =	dma.local @!p0 [hbm:s0], s1  }
0x86: {  	s0 =	simm.s32 @!p0 $0x2  }
0x87: {  	_ =	swait.ge @!p0 [sflag:s0], s1  }
0x88: {  	s1 =	ssub.s32 @!p0 $0x0, s1;
	[sflag:s0] =	ssyncset.done @!p0 $0x0  }
0x89: {  	[sflag:s0] =	ssyncadd.s32 @!p0 s1  }
0x8a: {  	[bflag:$0x3] =	sbarrier.arrive $0xFFFF  }
0x8b: {  	_ =	shalt  }

</sc_bundles>
